<compile_context>
chip_gen: v7x
topology: tpu7x:2x2x1
jax: 0.10.2.dev20260603
libtpu: 0.0.44.dev20260713+nightly
codegen_flags: <defaults>
</compile_context>

<pallas_src>
import functools

import jax
import jax.numpy as jnp
from jax import lax
from jax.experimental import pallas as pl
from jax.experimental.pallas import tpu as pltpu
from jax.experimental.pallas import tpu_sc as plsc

N = 10000
E = 160000
D = 256
HID = 256
C = 40
CP = 128
NPAD = 10240
EPAD = 163840
NC, NS, L = 2, 16, 16
RPT = NPAD // NS
CH1 = EPAD // NS // 128
CH2 = EPAD // (NC * NS) // 128

_MESH = plsc.VectorSubcoreMesh(core_axis_name="c", subcore_axis_name="s")
_UNTILED = pltpu.CompilerParams(use_tc_tiling_on_sc=False)



def _deg_body(dst_hbm, ones_hbm, zero_hbm, out0, out1, dstv, onesv, hist):
    c = lax.axis_index("c")
    s = lax.axis_index("s")
    wid = c * NS + s
    pltpu.sync_copy(ones_hbm, onesv)
    pltpu.sync_copy(zero_hbm, hist.at[pl.ds(s * RPT, RPT)])
    pltpu.sync_copy(dst_hbm.at[wid], dstv)
    plsc.subcore_barrier()

    def body(j, carry):
        pltpu.sync_copy(onesv, hist.at[dstv.at[j]], add=True)
        return carry

    lax.fori_loop(0, CH2, body, 0)
    plsc.subcore_barrier()
    slab = pl.ds(s * RPT, RPT)

    @pl.when(c == 0)
    def _():
        pltpu.sync_copy(hist.at[slab], out0.at[slab])

    @pl.when(c == 1)
    def _():
        pltpu.sync_copy(hist.at[slab], out1.at[slab])


def _deg_call(dst3, ones16, zdeg):
    f = pl.kernel(
        _deg_body,
        out_type=[jax.ShapeDtypeStruct((NPAD, 16), jnp.float32)] * 2,
        mesh=_MESH,
        scratch_types=[
            pltpu.VMEM((CH2, 128), jnp.int32),
            pltpu.VMEM((128, 16), jnp.float32),
            pltpu.VMEM_SHARED((NPAD, 16), jnp.float32),
        ],
        compiler_params=_UNTILED,
    )
    return f(dst3, ones16, zdeg)


def _make_mp_body(fw, chunks):

    def body(tab_hbm, sd_hbm, zero_hbm, out0, out1, sdv, bufa, bufb, acc,
             sema, semb, semia, semib):
        c = lax.axis_index("c")
        s = lax.axis_index("s")
        base = (c * NS + s) * chunks
        pltpu.sync_copy(zero_hbm, acc.at[pl.ds(s * RPT, RPT)])
        plsc.subcore_barrier()

        pltpu.async_copy(sd_hbm.at[base], sdv.at[0], semia)
        pltpu.async_copy(sd_hbm.at[base + 1], sdv.at[1], semib)
        pltpu.make_async_copy(sd_hbm.at[base], sdv.at[0], semia).wait()
        pltpu.async_copy(tab_hbm.at[sdv.at[0, 0]], bufa, sema)

        def step(j, carry):
            ch = 2 * j
            pltpu.make_async_copy(sd_hbm.at[base], sdv.at[1], semib).wait()
            pltpu.async_copy(tab_hbm.at[sdv.at[1, 0]], bufb, semb)
            pltpu.make_async_copy(tab_hbm.at[sdv.at[0, 0]], bufa, sema).wait()
            pltpu.sync_copy(bufa, acc.at[sdv.at[0, 1]], add=True)

            @pl.when(ch + 2 < chunks)
            def _():
                pltpu.async_copy(sd_hbm.at[base + ch + 2], sdv.at[0], semia)
                pltpu.make_async_copy(sd_hbm.at[base], sdv.at[0], semia).wait()
                pltpu.async_copy(tab_hbm.at[sdv.at[0, 0]], bufa, sema)

            pltpu.make_async_copy(tab_hbm.at[sdv.at[1, 0]], bufb, semb).wait()
            pltpu.sync_copy(bufb, acc.at[sdv.at[1, 1]], add=True)

            @pl.when(ch + 3 < chunks)
            def _():
                pltpu.async_copy(sd_hbm.at[base + ch + 3], sdv.at[1], semib)
            return carry

        lax.fori_loop(0, chunks // 2, step, 0)
        plsc.subcore_barrier()
        slab = pl.ds(s * RPT, RPT)

        @pl.when(c == 0)
        def _():
            pltpu.sync_copy(acc.at[slab], out0.at[slab])

        @pl.when(c == 1)
        def _():
            pltpu.sync_copy(acc.at[slab], out1.at[slab])

    def call(tab, sd, zeros):
        f = pl.kernel(
            body,
            out_type=[jax.ShapeDtypeStruct((NPAD, fw), jnp.float32)] * 2,
            mesh=_MESH,
            scratch_types=[
                pltpu.VMEM((2, 2, 128), jnp.int32),
                pltpu.VMEM((128, fw), jnp.float32),
                pltpu.VMEM((128, fw), jnp.float32),
                pltpu.VMEM_SHARED((NPAD, fw), jnp.float32),
                pltpu.SemaphoreType.DMA,
                pltpu.SemaphoreType.DMA,
                pltpu.SemaphoreType.DMA,
                pltpu.SemaphoreType.DMA,
            ],
            compiler_params=None if fw % 128 == 0 else _UNTILED,
        )
        return f(tab, sd, zeros)

    return call


_mp1_call = _make_mp_body(128, CH1)
_mp2_call = _make_mp_body(CP, CH2)



def _dis(d0_ref, d1_ref):
    deg = d0_ref[:, :1] + d1_ref[:, :1] + 1.0
    return lax.rsqrt(deg)


def _tc1_body(x_ref, d0_ref, d1_ref, w1_ref, o_ref):
    dis = _dis(d0_ref, d1_ref)
    h = jnp.dot(x_ref[:, :], w1_ref[:, :], preferred_element_type=jnp.float32)
    o_ref[:, :] = dis * h


def _tc2_body(a0_ref, a1_ref, h1p_ref, d0_ref, d1_ref, w2_ref, b1_ref, o_ref):
    dis = _dis(d0_ref, d1_ref)
    agg = jnp.concatenate([a0_ref[:, :], a1_ref[:, :]], axis=1) + h1p_ref[:, :]
    z1 = jnp.maximum(dis * agg + b1_ref[:, :], 0.0)
    h2 = jnp.dot(z1, w2_ref[:, :], preferred_element_type=jnp.float32)
    o_ref[:, :] = dis * h2


def _tc3_body(p0_ref, p1_ref, h2p_ref, d0_ref, d1_ref, b2_ref, o_ref):
    dis = _dis(d0_ref, d1_ref)
    t = dis * (p0_ref[:, :] + p1_ref[:, :] + h2p_ref[:, :]) + b2_ref[:, :]
    logit = t[:, :C]
    m = jnp.max(logit, axis=1, keepdims=True)
    ex = jnp.exp(logit - m)
    lse = jnp.log(jnp.sum(ex, axis=1, keepdims=True))
    o_ref[:, :] = logit - m - lse


_BN = 1000


def _row_spec(w):
    return pl.BlockSpec((_BN, w), lambda i: (i, 0))


def _full_spec(r, cdim):
    return pl.BlockSpec((r, cdim), lambda i: (0, 0))


def _tc1(x, dp0, dp1, W1):
    return pl.pallas_call(
        _tc1_body,
        grid=(N // _BN,),
        in_specs=[_row_spec(D), _row_spec(16), _row_spec(16), _full_spec(D, HID)],
        out_specs=_row_spec(HID),
        out_shape=jax.ShapeDtypeStruct((N, HID), jnp.float32),
    )(x, dp0, dp1, W1)


def _tc2(a0, a1, h1p, dp0, dp1, W2p, b1r):
    return pl.pallas_call(
        _tc2_body,
        grid=(N // _BN,),
        in_specs=[_row_spec(128), _row_spec(128), _row_spec(HID),
                  _row_spec(16), _row_spec(16),
                  _full_spec(HID, CP), _full_spec(1, HID)],
        out_specs=_row_spec(CP),
        out_shape=jax.ShapeDtypeStruct((N, CP), jnp.float32),
    )(a0, a1, h1p, dp0, dp1, W2p, b1r)


def _tc3(p0, p1, h2p, dp0, dp1, b2r):
    return pl.pallas_call(
        _tc3_body,
        grid=(N // _BN,),
        in_specs=[_row_spec(CP), _row_spec(CP), _row_spec(CP),
                  _row_spec(16), _row_spec(16), _full_spec(1, CP)],
        out_specs=_row_spec(C),
        out_shape=jax.ShapeDtypeStruct((N, C), jnp.float32),
    )(p0, p1, h2p, dp0, dp1, b2r)



def kernel(x, edge_index, W1, b1, W2, b2):
    src = edge_index[0].astype(jnp.int32)
    dst = edge_index[1].astype(jnp.int32)
    pad = EPAD - E
    src_p = jnp.concatenate([src, jnp.zeros((pad,), jnp.int32)])
    dst_p = jnp.concatenate([dst, jnp.full((pad,), N, jnp.int32)])

    src16 = src_p.reshape(NS, CH1, 128)
    src_l1 = jnp.concatenate([2 * src16, 2 * src16 + 1], axis=0)
    dst16 = dst_p.reshape(NS, CH1, 128)
    dst_l1 = jnp.concatenate([dst16, dst16], axis=0)
    sd1 = jnp.stack([src_l1, dst_l1], axis=2).reshape(NC * NS * CH1, 2, 128)
    src_l2 = src_p.reshape(NC * NS, CH2, 128)
    dst_l2 = dst_p.reshape(NC * NS, CH2, 128)
    sd2 = jnp.stack([src_l2, dst_l2], axis=2).reshape(NC * NS * CH2, 2, 128)

    ones16 = jnp.ones((128, 16), jnp.float32)
    zdeg = jnp.zeros((RPT, 16), jnp.float32)
    z128 = jnp.zeros((RPT, 128), jnp.float32)
    z48 = jnp.zeros((RPT, CP), jnp.float32)

    dp0, dp1 = _deg_call(dst_l2, ones16, zdeg)
    h1p = _tc1(x, dp0, dp1, W1)
    a0, a1 = _mp1_call(h1p.reshape(2 * N, 128), sd1, z128)
    W2p = jnp.pad(W2, ((0, 0), (0, CP - C)))
    h2p = _tc2(a0, a1, h1p, dp0, dp1, W2p, b1.reshape(1, HID))
    p0, p1 = _mp2_call(h2p, sd2, z48)
    b2r = jnp.pad(b2, (0, CP - C)).reshape(1, CP)
    return _tc3(p0, p1, h2p, dp0, dp1, b2r)

# --- scband reference (transcript-rebuilt; emitter-appended) ---
"""Pipeline reference for scband-gcn-net-8323646620238 (READ-ONLY COPY).

The authoritative reference and input builder live on the scoring server;
editing this copy changes nothing except your own understanding.
"""

import jax, jax.numpy as jnp
import numpy as np

N_NODES = 10000
N_EDGES = 160000
D_FEAT = 256
HIDDEN = 256
N_CLASSES = 40


def setup_inputs(seed: int = 0) -> dict:
    key = jax.random.key(seed)
    k1, k2, k3, k4, k5, k6 = jax.random.split(key, 6)
    x = jax.random.normal(k1, (N_NODES, D_FEAT), dtype=jnp.float32)
    edge_index = jax.random.randint(k2, (2, N_EDGES), 0, N_NODES, dtype=jnp.int64)
    # GCNConv weights: glorot-like init
    W1 = jax.random.normal(k3, (D_FEAT, HIDDEN), dtype=jnp.float32) * (1.0 / np.sqrt(D_FEAT))
    b1 = jnp.zeros((HIDDEN,), dtype=jnp.float32)
    W2 = jax.random.normal(k4, (HIDDEN, N_CLASSES), dtype=jnp.float32) * (1.0 / np.sqrt(HIDDEN))
    b2 = jnp.zeros((N_CLASSES,), dtype=jnp.float32)
    return {"x": x, "edge_index": edge_index, "W1": W1, "b1": b1, "W2": W2, "b2": b2}


def _gcn_conv(x, edge_index, W, b, num_nodes):
    # PyG GCNConv: out = D^{-1/2} (A + I) D^{-1/2} X W + b
    loop = jnp.arange(num_nodes, dtype=edge_index.dtype)
    src = jnp.concatenate([edge_index[0], loop])
    dst = jnp.concatenate([edge_index[1], loop])
    h = x @ W
    ones = jnp.ones_like(dst, dtype=h.dtype)
    deg = jnp.zeros((num_nodes,), dtype=h.dtype).at[dst].add(ones)
    deg_inv_sqrt = jnp.where(deg > 0, jax.lax.rsqrt(jnp.maximum(deg, 1e-12)), 0.0)
    norm = deg_inv_sqrt[src] * deg_inv_sqrt[dst]
    msg = h[src] * norm[:, None]
    out = jax.ops.segment_sum(msg, dst, num_segments=num_nodes)
    return out + b


def reference(x, edge_index, W1, b1, W2, b2):
    num_nodes = x.shape[0]
    h = _gcn_conv(x, edge_index, W1, b1, num_nodes)
    h = jax.nn.relu(h)
    # dropout is identity in eval mode (training=False)
    h = _gcn_conv(h, edge_index, W2, b2, num_nodes)
    return jax.nn.log_softmax(h, axis=1)

if __name__ == "__main__":
    import jax
    _d = setup_inputs()
    print(jax.jit(kernel)(*tuple(_d.values())))

</pallas_src>

<mosaic_0001>
#map = affine_map<(d0, d1) -> (0, 0, 0)>
#map1 = affine_map<(d0, d1) -> (0, 0)>
module attributes {stable_mosaic.version = 14 : i64} {
  func.func @_deg_body(%arg0: i32, %arg1: i32, %arg2: memref<32x40x128xi32, #tpu.memory_space<hbm>>, %arg3: memref<128x16xf32, #tpu.memory_space<hbm>>, %arg4: memref<640x16xf32, #tpu.memory_space<hbm>>, %arg5: memref<10240x16xf32, #tpu.memory_space<hbm>>, %arg6: memref<10240x16xf32, #tpu.memory_space<hbm>>, %arg7: memref<40x128xi32, #tpu.memory_space<vmem>>, %arg8: memref<128x16xf32, #tpu.memory_space<vmem>>, %arg9: memref<10240x16xf32, #tpu.memory_space<vmem_shared>>) attributes {dimension_semantics = [#tpu.dimension_semantics<core_parallel>, #tpu.dimension_semantics<subcore_parallel>], iteration_bounds = array<i64: 2, 16>, scalar_prefetch = 0 : i64, scratch_operands = 3 : i64, tpu.core_type = #tpu.core_type<sc_vector_subcore>, window_params = [{transform_indices = #map}, {transform_indices = #map1}, {transform_indices = #map1}, {transform_indices = #map1}, {transform_indices = #map1}]} {
    %mul3A = arith.constant 16 : i32
    %mul3A_0 = arith.muli %arg0, %mul3A : i32
    %add3A = arith.addi %mul3A_0, %arg1 : i32
    "tpu.region"() ({
      %run_scoped3A = tpu.sem_alloc : memref<!tpu.dma_semaphore, #tpu.memory_space<semaphore_mem>>
      tpu.enqueue_dma source(%arg3 : memref<128x16xf32, #tpu.memory_space<hbm>>) target(%arg8 : memref<128x16xf32, #tpu.memory_space<vmem>>) target_semaphore(%run_scoped3A : memref<!tpu.dma_semaphore, #tpu.memory_space<semaphore_mem>>)
      tpu.wait_dma2 semaphore(%run_scoped3A : memref<!tpu.dma_semaphore, #tpu.memory_space<semaphore_mem>>) src(%arg3 : memref<128x16xf32, #tpu.memory_space<hbm>>) dst(%arg8 : memref<128x16xf32, #tpu.memory_space<vmem>>)
      tpu.yield
    }) : () -> ()
    %mul3A_1 = arith.constant 640 : i32
    %mul3A_2 = arith.muli %arg1, %mul3A_1 : i32
    "tpu.region"() ({
      %run_scoped3A = tpu.sem_alloc : memref<!tpu.dma_semaphore, #tpu.memory_space<semaphore_mem>>
      %dma_start3A = arith.constant 0 : i32
      %dma_start3A_18 = tpu.memref_slice %arg9[%mul3A_2, %dma_start3A] : memref<10240x16xf32, #tpu.memory_space<vmem_shared>> -> memref<640x16xf32, #tpu.memory_space<vmem_shared>>
      tpu.enqueue_dma source(%arg4 : memref<640x16xf32, #tpu.memory_space<hbm>>) target(%dma_start3A_18 : memref<640x16xf32, #tpu.memory_space<vmem_shared>>) target_semaphore(%run_scoped3A : memref<!tpu.dma_semaphore, #tpu.memory_space<semaphore_mem>>)
      %dma_wait3A = arith.constant 0 : i32
      %dma_wait3A_19 = tpu.memref_slice %arg9[%mul3A_2, %dma_wait3A] : memref<10240x16xf32, #tpu.memory_space<vmem_shared>> -> memref<640x16xf32, #tpu.memory_space<vmem_shared>>
      tpu.wait_dma2 semaphore(%run_scoped3A : memref<!tpu.dma_semaphore, #tpu.memory_space<semaphore_mem>>) src(%arg4 : memref<640x16xf32, #tpu.memory_space<hbm>>) dst(%dma_wait3A_19 : memref<640x16xf32, #tpu.memory_space<vmem_shared>>)
      tpu.yield
    }) : () -> ()
    "tpu.region"() ({
      %run_scoped3A = tpu.sem_alloc : memref<!tpu.dma_semaphore, #tpu.memory_space<semaphore_mem>>
      %dma_start3A = arith.constant 0 : i32
      %dma_start3A_18 = arith.constant 0 : i32
      %dma_start3A_19 = tpu.memref_slice %arg2[%add3A, %dma_start3A, %dma_start3A_18] : memref<32x40x128xi32, #tpu.memory_space<hbm>> -> memref<1x40x128xi32, #tpu.memory_space<hbm>>
      %dma_start3A_20 = tpu.memref_squeeze %dma_start3A_19 : memref<1x40x128xi32, #tpu.memory_space<hbm>> -> memref<40x128xi32, #tpu.memory_space<hbm>>
      %dma_start3A_21 = arith.constant 0 : i32
      %dma_start3A_22 = arith.constant 0 : i32
      %dma_start3A_23 = tpu.memref_slice %arg2[%add3A, %dma_start3A_21, %dma_start3A_22] : memref<32x40x128xi32, #tpu.memory_space<hbm>> -> memref<1x40x128xi32, #tpu.memory_space<hbm>>
      %dma_start3A_24 = tpu.memref_squeeze %dma_start3A_23 : memref<1x40x128xi32, #tpu.memory_space<hbm>> -> memref<40x128xi32, #tpu.memory_space<hbm>>
      tpu.enqueue_dma source(%dma_start3A_24 : memref<40x128xi32, #tpu.memory_space<hbm>>) target(%arg7 : memref<40x128xi32, #tpu.memory_space<vmem>>) target_semaphore(%run_scoped3A : memref<!tpu.dma_semaphore, #tpu.memory_space<semaphore_mem>>)
      %dma_wait3A = arith.constant 0 : i32
      %dma_wait3A_25 = arith.constant 0 : i32
      %dma_wait3A_26 = tpu.memref_slice %arg2[%add3A, %dma_wait3A, %dma_wait3A_25] : memref<32x40x128xi32, #tpu.memory_space<hbm>> -> memref<1x40x128xi32, #tpu.memory_space<hbm>>
      %dma_wait3A_27 = tpu.memref_squeeze %dma_wait3A_26 : memref<1x40x128xi32, #tpu.memory_space<hbm>> -> memref<40x128xi32, #tpu.memory_space<hbm>>
      %dma_wait3A_28 = arith.constant 0 : i32
      %dma_wait3A_29 = arith.constant 0 : i32
      %dma_wait3A_30 = tpu.memref_slice %arg2[%add3A, %dma_wait3A_28, %dma_wait3A_29] : memref<32x40x128xi32, #tpu.memory_space<hbm>> -> memref<1x40x128xi32, #tpu.memory_space<hbm>>
      %dma_wait3A_31 = tpu.memref_squeeze %dma_wait3A_30 : memref<1x40x128xi32, #tpu.memory_space<hbm>> -> memref<40x128xi32, #tpu.memory_space<hbm>>
      tpu.wait_dma2 semaphore(%run_scoped3A : memref<!tpu.dma_semaphore, #tpu.memory_space<semaphore_mem>>) src(%dma_wait3A_31 : memref<40x128xi32, #tpu.memory_space<hbm>>) dst(%arg7 : memref<40x128xi32, #tpu.memory_space<vmem>>)
      tpu.yield
    }) : () -> ()
    %barrier3A = arith.constant 0 : index
    tpu.barrier barrier_id(%barrier3A)
    %scan3A = arith.constant 0 : i32
    %scan3A_3 = arith.constant 0 : i32
    %scan3A_4 = arith.constant 40 : i32
    %scan3A_5 = arith.addi %scan3A_3, %scan3A_4 : i32
    %scan3A_6 = arith.constant 1 : i32
    scf.for %scan3A_18 = %scan3A_3 to %scan3A_5 step %scan3A_6  : i32 {
      "tpu.region"() ({
        %run_scoped3A = tpu.sem_alloc : memref<!tpu.dma_semaphore, #tpu.memory_space<semaphore_mem>>
        %dma_start3A = arith.constant 0 : i32
        %dma_start3A_19 = tpu.memref_slice %arg7[%scan3A_18, %dma_start3A] : memref<40x128xi32, #tpu.memory_space<vmem>> -> memref<1x128xi32, #tpu.memory_space<vmem>>
        %dma_start3A_20 = tpu.memref_squeeze %dma_start3A_19 : memref<1x128xi32, #tpu.memory_space<vmem>> -> memref<128xi32, #tpu.memory_space<vmem>>
        %dma_start3A_21 = arith.constant 0 : i32
        %dma_start3A_22 = arith.constant 0 : i32
        %dma_start3A_23 = tpu.memref_slice %arg9[%dma_start3A_21, %dma_start3A_22] : memref<10240x16xf32, #tpu.memory_space<vmem_shared>> -> memref<10240x16xf32, #tpu.memory_space<vmem_shared>>
        tpu.enqueue_indirect_dma source(%arg8 : memref<128x16xf32, #tpu.memory_space<vmem>>) target(%dma_start3A_23 : memref<10240x16xf32, #tpu.memory_space<vmem_shared>>) offsets(%dma_start3A_20 : memref<128xi32, #tpu.memory_space<vmem>>) semaphore(%run_scoped3A : memref<!tpu.dma_semaphore, #tpu.memory_space<semaphore_mem>>) {add = true}
        %dma_wait3A = arith.constant 0 : i32
        %dma_wait3A_24 = tpu.memref_slice %arg7[%scan3A_18, %dma_wait3A] : memref<40x128xi32, #tpu.memory_space<vmem>> -> memref<1x128xi32, #tpu.memory_space<vmem>>
        %dma_wait3A_25 = tpu.memref_squeeze %dma_wait3A_24 : memref<1x128xi32, #tpu.memory_space<vmem>> -> memref<128xi32, #tpu.memory_space<vmem>>
        %dma_wait3A_26 = arith.constant 0 : i32
        %dma_wait3A_27 = arith.constant 0 : i32
        %dma_wait3A_28 = tpu.memref_slice %arg9[%dma_wait3A_26, %dma_wait3A_27] : memref<10240x16xf32, #tpu.memory_space<vmem_shared>> -> memref<10240x16xf32, #tpu.memory_space<vmem_shared>>
        tpu.wait_indirect_dma semaphore(%run_scoped3A : memref<!tpu.dma_semaphore, #tpu.memory_space<semaphore_mem>>) src(%arg8 : memref<128x16xf32, #tpu.memory_space<vmem>>) dst(%dma_wait3A_28 : memref<10240x16xf32, #tpu.memory_space<vmem_shared>>)
        tpu.yield
      }) : () -> ()
    }
    %scan3A_7 = arith.constant 40 : i32
    %barrier3A_8 = arith.constant 0 : index
    tpu.barrier barrier_id(%barrier3A_8)
    %mul3A_9 = arith.constant 640 : i32
    %mul3A_10 = arith.muli %arg1, %mul3A_9 : i32
    %eq3A = arith.constant 0 : i32
    %eq3A_11 = arith.cmpi eq, %arg0, %eq3A : i32
    %convert_element_type3A = arith.extui %eq3A_11 : i1 to i32
    %cond3A = arith.constant 0 : i32
    %cond3A_12 = arith.cmpi ne, %convert_element_type3A, %cond3A : i32
    scf.if %cond3A_12 {
      "tpu.region"() ({
        %run_scoped3A = tpu.sem_alloc : memref<!tpu.dma_semaphore, #tpu.memory_space<semaphore_mem>>
        %dma_start3A = arith.constant 0 : i32
        %dma_start3A_18 = tpu.memref_slice %arg5[%mul3A_10, %dma_start3A] : memref<10240x16xf32, #tpu.memory_space<hbm>> -> memref<640x16xf32, #tpu.memory_space<hbm>>
        %dma_start3A_19 = arith.constant 0 : i32
        %dma_start3A_20 = tpu.memref_slice %arg9[%mul3A_10, %dma_start3A_19] : memref<10240x16xf32, #tpu.memory_space<vmem_shared>> -> memref<640x16xf32, #tpu.memory_space<vmem_shared>>
        tpu.enqueue_dma source(%dma_start3A_20 : memref<640x16xf32, #tpu.memory_space<vmem_shared>>) target(%dma_start3A_18 : memref<640x16xf32, #tpu.memory_space<hbm>>) target_semaphore(%run_scoped3A : memref<!tpu.dma_semaphore, #tpu.memory_space<semaphore_mem>>)
        %dma_wait3A = arith.constant 0 : i32
        %dma_wait3A_21 = tpu.memref_slice %arg5[%mul3A_10, %dma_wait3A] : memref<10240x16xf32, #tpu.memory_space<hbm>> -> memref<640x16xf32, #tpu.memory_space<hbm>>
        %dma_wait3A_22 = arith.constant 0 : i32
        %dma_wait3A_23 = tpu.memref_slice %arg9[%mul3A_10, %dma_wait3A_22] : memref<10240x16xf32, #tpu.memory_space<vmem_shared>> -> memref<640x16xf32, #tpu.memory_space<vmem_shared>>
        tpu.wait_dma2 semaphore(%run_scoped3A : memref<!tpu.dma_semaphore, #tpu.memory_space<semaphore_mem>>) src(%dma_wait3A_23 : memref<640x16xf32, #tpu.memory_space<vmem_shared>>) dst(%dma_wait3A_21 : memref<640x16xf32, #tpu.memory_space<hbm>>)
        tpu.yield
      }) : () -> ()
    } else {
    }
    %eq3A_13 = arith.constant 1 : i32
    %eq3A_14 = arith.cmpi eq, %arg0, %eq3A_13 : i32
    %convert_element_type3A_15 = arith.extui %eq3A_14 : i1 to i32
    %cond3A_16 = arith.constant 0 : i32
    %cond3A_17 = arith.cmpi ne, %convert_element_type3A_15, %cond3A_16 : i32
    scf.if %cond3A_17 {
      "tpu.region"() ({
        %run_scoped3A = tpu.sem_alloc : memref<!tpu.dma_semaphore, #tpu.memory_space<semaphore_mem>>
        %dma_start3A = arith.constant 0 : i32
        %dma_start3A_18 = tpu.memref_slice %arg6[%mul3A_10, %dma_start3A] : memref<10240x16xf32, #tpu.memory_space<hbm>> -> memref<640x16xf32, #tpu.memory_space<hbm>>
        %dma_start3A_19 = arith.constant 0 : i32
        %dma_start3A_20 = tpu.memref_slice %arg9[%mul3A_10, %dma_start3A_19] : memref<10240x16xf32, #tpu.memory_space<vmem_shared>> -> memref<640x16xf32, #tpu.memory_space<vmem_shared>>
        tpu.enqueue_dma source(%dma_start3A_20 : memref<640x16xf32, #tpu.memory_space<vmem_shared>>) target(%dma_start3A_18 : memref<640x16xf32, #tpu.memory_space<hbm>>) target_semaphore(%run_scoped3A : memref<!tpu.dma_semaphore, #tpu.memory_space<semaphore_mem>>)
        %dma_wait3A = arith.constant 0 : i32
        %dma_wait3A_21 = tpu.memref_slice %arg6[%mul3A_10, %dma_wait3A] : memref<10240x16xf32, #tpu.memory_space<hbm>> -> memref<640x16xf32, #tpu.memory_space<hbm>>
        %dma_wait3A_22 = arith.constant 0 : i32
        %dma_wait3A_23 = tpu.memref_slice %arg9[%mul3A_10, %dma_wait3A_22] : memref<10240x16xf32, #tpu.memory_space<vmem_shared>> -> memref<640x16xf32, #tpu.memory_space<vmem_shared>>
        tpu.wait_dma2 semaphore(%run_scoped3A : memref<!tpu.dma_semaphore, #tpu.memory_space<semaphore_mem>>) src(%dma_wait3A_23 : memref<640x16xf32, #tpu.memory_space<vmem_shared>>) dst(%dma_wait3A_21 : memref<640x16xf32, #tpu.memory_space<hbm>>)
        tpu.yield
      }) : () -> ()
    } else {
    }
    return
  }
}

#map = affine_map<(d0, d1) -> (0, 0)>
#map1 = affine_map<(d0, d1) -> (0, 0, 0)>
module attributes {stable_mosaic.version = 14 : i64} {
  func.func @body(%arg0: i32, %arg1: i32, %arg2: memref<20000x128xf32, #tpu.memory_space<hbm>>, %arg3: memref<2560x2x128xi32, #tpu.memory_space<hbm>>, %arg4: memref<640x128xf32, #tpu.memory_space<hbm>>, %arg5: memref<10240x128xf32, #tpu.memory_space<hbm>>, %arg6: memref<10240x128xf32, #tpu.memory_space<hbm>>, %arg7: memref<2x2x128xi32, #tpu.memory_space<vmem>>, %arg8: memref<128x128xf32, #tpu.memory_space<vmem>>, %arg9: memref<128x128xf32, #tpu.memory_space<vmem>>, %arg10: memref<10240x128xf32, #tpu.memory_space<vmem_shared>>, %arg11: memref<!tpu.dma_semaphore, #tpu.memory_space<semaphore_mem>>, %arg12: memref<!tpu.dma_semaphore, #tpu.memory_space<semaphore_mem>>, %arg13: memref<!tpu.dma_semaphore, #tpu.memory_space<semaphore_mem>>, %arg14: memref<!tpu.dma_semaphore, #tpu.memory_space<semaphore_mem>>) attributes {dimension_semantics = [#tpu.dimension_semantics<core_parallel>, #tpu.dimension_semantics<subcore_parallel>], iteration_bounds = array<i64: 2, 16>, scalar_prefetch = 0 : i64, scratch_operands = 8 : i64, tpu.core_type = #tpu.core_type<sc_vector_subcore>, window_params = [{transform_indices = #map}, {transform_indices = #map1}, {transform_indices = #map}, {transform_indices = #map}, {transform_indices = #map}]} {
    %mul3A = arith.constant 16 : i32
    %mul3A_0 = arith.muli %arg0, %mul3A : i32
    %add3A = arith.addi %mul3A_0, %arg1 : i32
    %mul3A_1 = arith.constant 80 : i32
    %mul3A_2 = arith.muli %add3A, %mul3A_1 : i32
    %mul3A_3 = arith.constant 640 : i32
    %mul3A_4 = arith.muli %arg1, %mul3A_3 : i32
    "tpu.region"() ({
      %run_scoped3A = tpu.sem_alloc : memref<!tpu.dma_semaphore, #tpu.memory_space<semaphore_mem>>
      %dma_start3A_79 = arith.constant 0 : i32
      %dma_start3A_80 = tpu.memref_slice %arg10[%mul3A_4, %dma_start3A_79] : memref<10240x128xf32, #tpu.memory_space<vmem_shared>> -> memref<640x128xf32, #tpu.memory_space<vmem_shared>>
      tpu.enqueue_dma source(%arg4 : memref<640x128xf32, #tpu.memory_space<hbm>>) target(%dma_start3A_80 : memref<640x128xf32, #tpu.memory_space<vmem_shared>>) target_semaphore(%run_scoped3A : memref<!tpu.dma_semaphore, #tpu.memory_space<semaphore_mem>>)
      %dma_wait3A_81 = arith.constant 0 : i32
      %dma_wait3A_82 = tpu.memref_slice %arg10[%mul3A_4, %dma_wait3A_81] : memref<10240x128xf32, #tpu.memory_space<vmem_shared>> -> memref<640x128xf32, #tpu.memory_space<vmem_shared>>
      tpu.wait_dma2 semaphore(%run_scoped3A : memref<!tpu.dma_semaphore, #tpu.memory_space<semaphore_mem>>) src(%arg4 : memref<640x128xf32, #tpu.memory_space<hbm>>) dst(%dma_wait3A_82 : memref<640x128xf32, #tpu.memory_space<vmem_shared>>)
      tpu.yield
    }) : () -> ()
    %barrier3A = arith.constant 0 : index
    tpu.barrier barrier_id(%barrier3A)
    %dma_start3A = arith.constant 0 : i32
    %dma_start3A_5 = arith.constant 0 : i32
    %dma_start3A_6 = arith.constant 0 : i32
    %dma_start3A_7 = tpu.memref_slice %arg7[%dma_start3A, %dma_start3A_5, %dma_start3A_6] : memref<2x2x128xi32, #tpu.memory_space<vmem>> -> memref<1x2x128xi32, #tpu.memory_space<vmem>>
    %dma_start3A_8 = tpu.memref_squeeze %dma_start3A_7 : memref<1x2x128xi32, #tpu.memory_space<vmem>> -> memref<2x128xi32, #tpu.memory_space<vmem>>
    %dma_start3A_9 = arith.constant 0 : i32
    %dma_start3A_10 = arith.constant 0 : i32
    %dma_start3A_11 = tpu.memref_slice %arg3[%mul3A_2, %dma_start3A_9, %dma_start3A_10] : memref<2560x2x128xi32, #tpu.memory_space<hbm>> -> memref<1x2x128xi32, #tpu.memory_space<hbm>>
    %dma_start3A_12 = tpu.memref_squeeze %dma_start3A_11 : memref<1x2x128xi32, #tpu.memory_space<hbm>> -> memref<2x128xi32, #tpu.memory_space<hbm>>
    %dma_start3A_13 = arith.constant 0 : i32
    %dma_start3A_14 = arith.constant 0 : i32
    %dma_start3A_15 = tpu.memref_slice %arg7[%dma_start3A, %dma_start3A_13, %dma_start3A_14] : memref<2x2x128xi32, #tpu.memory_space<vmem>> -> memref<1x2x128xi32, #tpu.memory_space<vmem>>
    %dma_start3A_16 = tpu.memref_squeeze %dma_start3A_15 : memref<1x2x128xi32, #tpu.memory_space<vmem>> -> memref<2x128xi32, #tpu.memory_space<vmem>>
    %dma_start3A_17 = arith.constant 0 : i32
    %dma_start3A_18 = arith.constant 0 : i32
    %dma_start3A_19 = tpu.memref_slice %arg3[%mul3A_2, %dma_start3A_17, %dma_start3A_18] : memref<2560x2x128xi32, #tpu.memory_space<hbm>> -> memref<1x2x128xi32, #tpu.memory_space<hbm>>
    %dma_start3A_20 = tpu.memref_squeeze %dma_start3A_19 : memref<1x2x128xi32, #tpu.memory_space<hbm>> -> memref<2x128xi32, #tpu.memory_space<hbm>>
    tpu.enqueue_dma source(%dma_start3A_20 : memref<2x128xi32, #tpu.memory_space<hbm>>) target(%dma_start3A_16 : memref<2x128xi32, #tpu.memory_space<vmem>>) target_semaphore(%arg13 : memref<!tpu.dma_semaphore, #tpu.memory_space<semaphore_mem>>)
    %add3A_21 = arith.constant 1 : i32
    %add3A_22 = arith.addi %mul3A_2, %add3A_21 : i32
    %dma_start3A_23 = arith.constant 1 : i32
    %dma_start3A_24 = arith.constant 0 : i32
    %dma_start3A_25 = arith.constant 0 : i32
    %dma_start3A_26 = tpu.memref_slice %arg7[%dma_start3A_23, %dma_start3A_24, %dma_start3A_25] : memref<2x2x128xi32, #tpu.memory_space<vmem>> -> memref<1x2x128xi32, #tpu.memory_space<vmem>>
    %dma_start3A_27 = tpu.memref_squeeze %dma_start3A_26 : memref<1x2x128xi32, #tpu.memory_space<vmem>> -> memref<2x128xi32, #tpu.memory_space<vmem>>
    %dma_start3A_28 = arith.constant 0 : i32
    %dma_start3A_29 = arith.constant 0 : i32
    %dma_start3A_30 = tpu.memref_slice %arg3[%add3A_22, %dma_start3A_28, %dma_start3A_29] : memref<2560x2x128xi32, #tpu.memory_space<hbm>> -> memref<1x2x128xi32, #tpu.memory_space<hbm>>
    %dma_start3A_31 = tpu.memref_squeeze %dma_start3A_30 : memref<1x2x128xi32, #tpu.memory_space<hbm>> -> memref<2x128xi32, #tpu.memory_space<hbm>>
    %dma_start3A_32 = arith.constant 0 : i32
    %dma_start3A_33 = arith.constant 0 : i32
    %dma_start3A_34 = tpu.memref_slice %arg7[%dma_start3A_23, %dma_start3A_32, %dma_start3A_33] : memref<2x2x128xi32, #tpu.memory_space<vmem>> -> memref<1x2x128xi32, #tpu.memory_space<vmem>>
    %dma_start3A_35 = tpu.memref_squeeze %dma_start3A_34 : memref<1x2x128xi32, #tpu.memory_space<vmem>> -> memref<2x128xi32, #tpu.memory_space<vmem>>
    %dma_start3A_36 = arith.constant 0 : i32
    %dma_start3A_37 = arith.constant 0 : i32
    %dma_start3A_38 = tpu.memref_slice %arg3[%add3A_22, %dma_start3A_36, %dma_start3A_37] : memref<2560x2x128xi32, #tpu.memory_space<hbm>> -> memref<1x2x128xi32, #tpu.memory_space<hbm>>
    %dma_start3A_39 = tpu.memref_squeeze %dma_start3A_38 : memref<1x2x128xi32, #tpu.memory_space<hbm>> -> memref<2x128xi32, #tpu.memory_space<hbm>>
    tpu.enqueue_dma source(%dma_start3A_39 : memref<2x128xi32, #tpu.memory_space<hbm>>) target(%dma_start3A_35 : memref<2x128xi32, #tpu.memory_space<vmem>>) target_semaphore(%arg14 : memref<!tpu.dma_semaphore, #tpu.memory_space<semaphore_mem>>)
    %dma_wait3A = arith.constant 0 : i32
    %dma_wait3A_40 = arith.constant 0 : i32
    %dma_wait3A_41 = arith.constant 0 : i32
    %dma_wait3A_42 = tpu.memref_slice %arg7[%dma_wait3A, %dma_wait3A_40, %dma_wait3A_41] : memref<2x2x128xi32, #tpu.memory_space<vmem>> -> memref<1x2x128xi32, #tpu.memory_space<vmem>>
    %dma_wait3A_43 = tpu.memref_squeeze %dma_wait3A_42 : memref<1x2x128xi32, #tpu.memory_space<vmem>> -> memref<2x128xi32, #tpu.memory_space<vmem>>
    %dma_wait3A_44 = arith.constant 0 : i32
    %dma_wait3A_45 = arith.constant 0 : i32
    %dma_wait3A_46 = tpu.memref_slice %arg3[%mul3A_2, %dma_wait3A_44, %dma_wait3A_45] : memref<2560x2x128xi32, #tpu.memory_space<hbm>> -> memref<1x2x128xi32, #tpu.memory_space<hbm>>
    %dma_wait3A_47 = tpu.memref_squeeze %dma_wait3A_46 : memref<1x2x128xi32, #tpu.memory_space<hbm>> -> memref<2x128xi32, #tpu.memory_space<hbm>>
    %dma_wait3A_48 = arith.constant 0 : i32
    %dma_wait3A_49 = arith.constant 0 : i32
    %dma_wait3A_50 = tpu.memref_slice %arg7[%dma_wait3A, %dma_wait3A_48, %dma_wait3A_49] : memref<2x2x128xi32, #tpu.memory_space<vmem>> -> memref<1x2x128xi32, #tpu.memory_space<vmem>>
    %dma_wait3A_51 = tpu.memref_squeeze %dma_wait3A_50 : memref<1x2x128xi32, #tpu.memory_space<vmem>> -> memref<2x128xi32, #tpu.memory_space<vmem>>
    %dma_wait3A_52 = arith.constant 0 : i32
    %dma_wait3A_53 = arith.constant 0 : i32
    %dma_wait3A_54 = tpu.memref_slice %arg3[%mul3A_2, %dma_wait3A_52, %dma_wait3A_53] : memref<2560x2x128xi32, #tpu.memory_space<hbm>> -> memref<1x2x128xi32, #tpu.memory_space<hbm>>
    %dma_wait3A_55 = tpu.memref_squeeze %dma_wait3A_54 : memref<1x2x128xi32, #tpu.memory_space<hbm>> -> memref<2x128xi32, #tpu.memory_space<hbm>>
    tpu.wait_dma2 semaphore(%arg13 : memref<!tpu.dma_semaphore, #tpu.memory_space<semaphore_mem>>) src(%dma_wait3A_55 : memref<2x128xi32, #tpu.memory_space<hbm>>) dst(%dma_wait3A_51 : memref<2x128xi32, #tpu.memory_space<vmem>>)
    %dma_start3A_56 = arith.constant 0 : i32
    %dma_start3A_57 = arith.constant 0 : i32
    %dma_start3A_58 = arith.constant 0 : i32
    %dma_start3A_59 = tpu.memref_slice %arg7[%dma_start3A_56, %dma_start3A_57, %dma_start3A_58] : memref<2x2x128xi32, #tpu.memory_space<vmem>> -> memref<1x1x128xi32, #tpu.memory_space<vmem>>
    %dma_start3A_60 = tpu.memref_squeeze %dma_start3A_59 : memref<1x1x128xi32, #tpu.memory_space<vmem>> -> memref<128xi32, #tpu.memory_space<vmem>>
    %dma_start3A_61 = arith.constant 0 : i32
    %dma_start3A_62 = arith.constant 0 : i32
    %dma_start3A_63 = tpu.memref_slice %arg2[%dma_start3A_61, %dma_start3A_62] : memref<20000x128xf32, #tpu.memory_space<hbm>> -> memref<20000x128xf32, #tpu.memory_space<hbm>>
    tpu.enqueue_indirect_dma source(%dma_start3A_63 : memref<20000x128xf32, #tpu.memory_space<hbm>>) target(%arg8 : memref<128x128xf32, #tpu.memory_space<vmem>>) offsets(%dma_start3A_60 : memref<128xi32, #tpu.memory_space<vmem>>) semaphore(%arg11 : memref<!tpu.dma_semaphore, #tpu.memory_space<semaphore_mem>>)
    %scan3A = arith.constant 0 : i32
    %scan3A_64 = arith.constant 0 : i32
    %scan3A_65 = arith.constant 40 : i32
    %scan3A_66 = arith.addi %scan3A_64, %scan3A_65 : i32
    %scan3A_67 = arith.constant 1 : i32
    scf.for %scan3A_79 = %scan3A_64 to %scan3A_66 step %scan3A_67  : i32 {
      %mul3A_80 = arith.constant 2 : i32
      %mul3A_81 = arith.muli %mul3A_80, %scan3A_79 : i32
      %dma_wait3A_82 = arith.constant 1 : i32
      %dma_wait3A_83 = arith.constant 0 : i32
      %dma_wait3A_84 = arith.constant 0 : i32
      %dma_wait3A_85 = tpu.memref_slice %arg7[%dma_wait3A_82, %dma_wait3A_83, %dma_wait3A_84] : memref<2x2x128xi32, #tpu.memory_space<vmem>> -> memref<1x2x128xi32, #tpu.memory_space<vmem>>
      %dma_wait3A_86 = tpu.memref_squeeze %dma_wait3A_85 : memref<1x2x128xi32, #tpu.memory_space<vmem>> -> memref<2x128xi32, #tpu.memory_space<vmem>>
      %dma_wait3A_87 = arith.constant 0 : i32
      %dma_wait3A_88 = arith.constant 0 : i32
      %dma_wait3A_89 = tpu.memref_slice %arg3[%mul3A_2, %dma_wait3A_87, %dma_wait3A_88] : memref<2560x2x128xi32, #tpu.memory_space<hbm>> -> memref<1x2x128xi32, #tpu.memory_space<hbm>>
      %dma_wait3A_90 = tpu.memref_squeeze %dma_wait3A_89 : memref<1x2x128xi32, #tpu.memory_space<hbm>> -> memref<2x128xi32, #tpu.memory_space<hbm>>
      %dma_wait3A_91 = arith.constant 0 : i32
      %dma_wait3A_92 = arith.constant 0 : i32
      %dma_wait3A_93 = tpu.memref_slice %arg7[%dma_wait3A_82, %dma_wait3A_91, %dma_wait3A_92] : memref<2x2x128xi32, #tpu.memory_space<vmem>> -> memref<1x2x128xi32, #tpu.memory_space<vmem>>
      %dma_wait3A_94 = tpu.memref_squeeze %dma_wait3A_93 : memref<1x2x128xi32, #tpu.memory_space<vmem>> -> memref<2x128xi32, #tpu.memory_space<vmem>>
      %dma_wait3A_95 = arith.constant 0 : i32
      %dma_wait3A_96 = arith.constant 0 : i32
      %dma_wait3A_97 = tpu.memref_slice %arg3[%mul3A_2, %dma_wait3A_95, %dma_wait3A_96] : memref<2560x2x128xi32, #tpu.memory_space<hbm>> -> memref<1x2x128xi32, #tpu.memory_space<hbm>>
      %dma_wait3A_98 = tpu.memref_squeeze %dma_wait3A_97 : memref<1x2x128xi32, #tpu.memory_space<hbm>> -> memref<2x128xi32, #tpu.memory_space<hbm>>
      tpu.wait_dma2 semaphore(%arg14 : memref<!tpu.dma_semaphore, #tpu.memory_space<semaphore_mem>>) src(%dma_wait3A_98 : memref<2x128xi32, #tpu.memory_space<hbm>>) dst(%dma_wait3A_94 : memref<2x128xi32, #tpu.memory_space<vmem>>)
      %dma_start3A_99 = arith.constant 1 : i32
      %dma_start3A_100 = arith.constant 0 : i32
      %dma_start3A_101 = arith.constant 0 : i32
      %dma_start3A_102 = tpu.memref_slice %arg7[%dma_start3A_99, %dma_start3A_100, %dma_start3A_101] : memref<2x2x128xi32, #tpu.memory_space<vmem>> -> memref<1x1x128xi32, #tpu.memory_space<vmem>>
      %dma_start3A_103 = tpu.memref_squeeze %dma_start3A_102 : memref<1x1x128xi32, #tpu.memory_space<vmem>> -> memref<128xi32, #tpu.memory_space<vmem>>
      %dma_start3A_104 = arith.constant 0 : i32
      %dma_start3A_105 = arith.constant 0 : i32
      %dma_start3A_106 = tpu.memref_slice %arg2[%dma_start3A_104, %dma_start3A_105] : memref<20000x128xf32, #tpu.memory_space<hbm>> -> memref<20000x128xf32, #tpu.memory_space<hbm>>
      tpu.enqueue_indirect_dma source(%dma_start3A_106 : memref<20000x128xf32, #tpu.memory_space<hbm>>) target(%arg9 : memref<128x128xf32, #tpu.memory_space<vmem>>) offsets(%dma_start3A_103 : memref<128xi32, #tpu.memory_space<vmem>>) semaphore(%arg12 : memref<!tpu.dma_semaphore, #tpu.memory_space<semaphore_mem>>)
      %dma_wait3A_107 = arith.constant 0 : i32
      %dma_wait3A_108 = arith.constant 0 : i32
      %dma_wait3A_109 = arith.constant 0 : i32
      %dma_wait3A_110 = tpu.memref_slice %arg7[%dma_wait3A_107, %dma_wait3A_108, %dma_wait3A_109] : memref<2x2x128xi32, #tpu.memory_space<vmem>> -> memref<1x1x128xi32, #tpu.memory_space<vmem>>
      %dma_wait3A_111 = tpu.memref_squeeze %dma_wait3A_110 : memref<1x1x128xi32, #tpu.memory_space<vmem>> -> memref<128xi32, #tpu.memory_space<vmem>>
      %dma_wait3A_112 = arith.constant 0 : i32
      %dma_wait3A_113 = arith.constant 0 : i32
      %dma_wait3A_114 = tpu.memref_slice %arg2[%dma_wait3A_112, %dma_wait3A_113] : memref<20000x128xf32, #tpu.memory_space<hbm>> -> memref<20000x128xf32, #tpu.memory_space<hbm>>
      tpu.wait_indirect_dma semaphore(%arg11 : memref<!tpu.dma_semaphore, #tpu.memory_space<semaphore_mem>>) src(%dma_wait3A_114 : memref<20000x128xf32, #tpu.memory_space<hbm>>) dst(%arg8 : memref<128x128xf32, #tpu.memory_space<vmem>>)
      %run_scoped3A = arith.constant 0 : i32
      %run_scoped3A_115 = arith.constant 1 : i32
      "tpu.region"() ({
        %run_scoped3A_139 = tpu.sem_alloc : memref<!tpu.dma_semaphore, #tpu.memory_space<semaphore_mem>>
        %dma_start3A_140 = arith.constant 0 : i32
        %dma_start3A_141 = tpu.memref_slice %arg7[%run_scoped3A, %run_scoped3A_115, %dma_start3A_140] : memref<2x2x128xi32, #tpu.memory_space<vmem>> -> memref<1x1x128xi32, #tpu.memory_space<vmem>>
        %dma_start3A_142 = tpu.memref_squeeze %dma_start3A_141 : memref<1x1x128xi32, #tpu.memory_space<vmem>> -> memref<128xi32, #tpu.memory_space<vmem>>
        %dma_start3A_143 = arith.constant 0 : i32
        %dma_start3A_144 = arith.constant 0 : i32
        %dma_start3A_145 = tpu.memref_slice %arg10[%dma_start3A_143, %dma_start3A_144] : memref<10240x128xf32, #tpu.memory_space<vmem_shared>> -> memref<10240x128xf32, #tpu.memory_space<vmem_shared>>
        tpu.enqueue_indirect_dma source(%arg8 : memref<128x128xf32, #tpu.memory_space<vmem>>) target(%dma_start3A_145 : memref<10240x128xf32, #tpu.memory_space<vmem_shared>>) offsets(%dma_start3A_142 : memref<128xi32, #tpu.memory_space<vmem>>) semaphore(%run_scoped3A_139 : memref<!tpu.dma_semaphore, #tpu.memory_space<semaphore_mem>>) {add = true}
        %dma_wait3A_146 = arith.constant 0 : i32
        %dma_wait3A_147 = tpu.memref_slice %arg7[%run_scoped3A, %run_scoped3A_115, %dma_wait3A_146] : memref<2x2x128xi32, #tpu.memory_space<vmem>> -> memref<1x1x128xi32, #tpu.memory_space<vmem>>
        %dma_wait3A_148 = tpu.memref_squeeze %dma_wait3A_147 : memref<1x1x128xi32, #tpu.memory_space<vmem>> -> memref<128xi32, #tpu.memory_space<vmem>>
        %dma_wait3A_149 = arith.constant 0 : i32
        %dma_wait3A_150 = arith.constant 0 : i32
        %dma_wait3A_151 = tpu.memref_slice %arg10[%dma_wait3A_149, %dma_wait3A_150] : memref<10240x128xf32, #tpu.memory_space<vmem_shared>> -> memref<10240x128xf32, #tpu.memory_space<vmem_shared>>
        tpu.wait_indirect_dma semaphore(%run_scoped3A_139 : memref<!tpu.dma_semaphore, #tpu.memory_space<semaphore_mem>>) src(%arg8 : memref<128x128xf32, #tpu.memory_space<vmem>>) dst(%dma_wait3A_151 : memref<10240x128xf32, #tpu.memory_space<vmem_shared>>)
        tpu.yield
      }) : () -> ()
      %add3A_116 = arith.constant 2 : i32
      %add3A_117 = arith.addi %mul3A_81, %add3A_116 : i32
      %lt3A = arith.constant 80 : i32
      %lt3A_118 = arith.cmpi slt, %add3A_117, %lt3A : i32
      %convert_element_type3A_119 = arith.extui %lt3A_118 : i1 to i32
      %cond3A_120 = arith.constant 0 : i32
      %cond3A_121 = arith.cmpi ne, %convert_element_type3A_119, %cond3A_120 : i32
      scf.if %cond3A_121 {
        %add3A_139 = arith.addi %mul3A_2, %mul3A_81 : i32
        %add3A_140 = arith.constant 2 : i32
        %add3A_141 = arith.addi %add3A_139, %add3A_140 : i32
        %dma_start3A_142 = arith.constant 0 : i32
        %dma_start3A_143 = arith.constant 0 : i32
        %dma_start3A_144 = arith.constant 0 : i32
        %dma_start3A_145 = tpu.memref_slice %arg7[%dma_start3A_142, %dma_start3A_143, %dma_start3A_144] : memref<2x2x128xi32, #tpu.memory_space<vmem>> -> memref<1x2x128xi32, #tpu.memory_space<vmem>>
        %dma_start3A_146 = tpu.memref_squeeze %dma_start3A_145 : memref<1x2x128xi32, #tpu.memory_space<vmem>> -> memref<2x128xi32, #tpu.memory_space<vmem>>
        %dma_start3A_147 = arith.constant 0 : i32
        %dma_start3A_148 = arith.constant 0 : i32
        %dma_start3A_149 = tpu.memref_slice %arg3[%add3A_141, %dma_start3A_147, %dma_start3A_148] : memref<2560x2x128xi32, #tpu.memory_space<hbm>> -> memref<1x2x128xi32, #tpu.memory_space<hbm>>
        %dma_start3A_150 = tpu.memref_squeeze %dma_start3A_149 : memref<1x2x128xi32, #tpu.memory_space<hbm>> -> memref<2x128xi32, #tpu.memory_space<hbm>>
        %dma_start3A_151 = arith.constant 0 : i32
        %dma_start3A_152 = arith.constant 0 : i32
        %dma_start3A_153 = tpu.memref_slice %arg7[%dma_start3A_142, %dma_start3A_151, %dma_start3A_152] : memref<2x2x128xi32, #tpu.memory_space<vmem>> -> memref<1x2x128xi32, #tpu.memory_space<vmem>>
        %dma_start3A_154 = tpu.memref_squeeze %dma_start3A_153 : memref<1x2x128xi32, #tpu.memory_space<vmem>> -> memref<2x128xi32, #tpu.memory_space<vmem>>
        %dma_start3A_155 = arith.constant 0 : i32
        %dma_start3A_156 = arith.constant 0 : i32
        %dma_start3A_157 = tpu.memref_slice %arg3[%add3A_141, %dma_start3A_155, %dma_start3A_156] : memref<2560x2x128xi32, #tpu.memory_space<hbm>> -> memref<1x2x128xi32, #tpu.memory_space<hbm>>
        %dma_start3A_158 = tpu.memref_squeeze %dma_start3A_157 : memref<1x2x128xi32, #tpu.memory_space<hbm>> -> memref<2x128xi32, #tpu.memory_space<hbm>>
        tpu.enqueue_dma source(%dma_start3A_158 : memref<2x128xi32, #tpu.memory_space<hbm>>) target(%dma_start3A_154 : memref<2x128xi32, #tpu.memory_space<vmem>>) target_semaphore(%arg13 : memref<!tpu.dma_semaphore, #tpu.memory_space<semaphore_mem>>)
        %dma_wait3A_159 = arith.constant 0 : i32
        %dma_wait3A_160 = arith.constant 0 : i32
        %dma_wait3A_161 = arith.constant 0 : i32
        %dma_wait3A_162 = tpu.memref_slice %arg7[%dma_wait3A_159, %dma_wait3A_160, %dma_wait3A_161] : memref<2x2x128xi32, #tpu.memory_space<vmem>> -> memref<1x2x128xi32, #tpu.memory_space<vmem>>
        %dma_wait3A_163 = tpu.memref_squeeze %dma_wait3A_162 : memref<1x2x128xi32, #tpu.memory_space<vmem>> -> memref<2x128xi32, #tpu.memory_space<vmem>>
        %dma_wait3A_164 = arith.constant 0 : i32
        %dma_wait3A_165 = arith.constant 0 : i32
        %dma_wait3A_166 = tpu.memref_slice %arg3[%mul3A_2, %dma_wait3A_164, %dma_wait3A_165] : memref<2560x2x128xi32, #tpu.memory_space<hbm>> -> memref<1x2x128xi32, #tpu.memory_space<hbm>>
        %dma_wait3A_167 = tpu.memref_squeeze %dma_wait3A_166 : memref<1x2x128xi32, #tpu.memory_space<hbm>> -> memref<2x128xi32, #tpu.memory_space<hbm>>
        %dma_wait3A_168 = arith.constant 0 : i32
        %dma_wait3A_169 = arith.constant 0 : i32
        %dma_wait3A_170 = tpu.memref_slice %arg7[%dma_wait3A_159, %dma_wait3A_168, %dma_wait3A_169] : memref<2x2x128xi32, #tpu.memory_space<vmem>> -> memref<1x2x128xi32, #tpu.memory_space<vmem>>
        %dma_wait3A_171 = tpu.memref_squeeze %dma_wait3A_170 : memref<1x2x128xi32, #tpu.memory_space<vmem>> -> memref<2x128xi32, #tpu.memory_space<vmem>>
        %dma_wait3A_172 = arith.constant 0 : i32
        %dma_wait3A_173 = arith.constant 0 : i32
        %dma_wait3A_174 = tpu.memref_slice %arg3[%mul3A_2, %dma_wait3A_172, %dma_wait3A_173] : memref<2560x2x128xi32, #tpu.memory_space<hbm>> -> memref<1x2x128xi32, #tpu.memory_space<hbm>>
        %dma_wait3A_175 = tpu.memref_squeeze %dma_wait3A_174 : memref<1x2x128xi32, #tpu.memory_space<hbm>> -> memref<2x128xi32, #tpu.memory_space<hbm>>
        tpu.wait_dma2 semaphore(%arg13 : memref<!tpu.dma_semaphore, #tpu.memory_space<semaphore_mem>>) src(%dma_wait3A_175 : memref<2x128xi32, #tpu.memory_space<hbm>>) dst(%dma_wait3A_171 : memref<2x128xi32, #tpu.memory_space<vmem>>)
        %dma_start3A_176 = arith.constant 0 : i32
        %dma_start3A_177 = arith.constant 0 : i32
        %dma_start3A_178 = arith.constant 0 : i32
        %dma_start3A_179 = tpu.memref_slice %arg7[%dma_start3A_176, %dma_start3A_177, %dma_start3A_178] : memref<2x2x128xi32, #tpu.memory_space<vmem>> -> memref<1x1x128xi32, #tpu.memory_space<vmem>>
        %dma_start3A_180 = tpu.memref_squeeze %dma_start3A_179 : memref<1x1x128xi32, #tpu.memory_space<vmem>> -> memref<128xi32, #tpu.memory_space<vmem>>
        %dma_start3A_181 = arith.constant 0 : i32
        %dma_start3A_182 = arith.constant 0 : i32
        %dma_start3A_183 = tpu.memref_slice %arg2[%dma_start3A_181, %dma_start3A_182] : memref<20000x128xf32, #tpu.memory_space<hbm>> -> memref<20000x128xf32, #tpu.memory_space<hbm>>
        tpu.enqueue_indirect_dma source(%dma_start3A_183 : memref<20000x128xf32, #tpu.memory_space<hbm>>) target(%arg8 : memref<128x128xf32, #tpu.memory_space<vmem>>) offsets(%dma_start3A_180 : memref<128xi32, #tpu.memory_space<vmem>>) semaphore(%arg11 : memref<!tpu.dma_semaphore, #tpu.memory_space<semaphore_mem>>)
      } else {
      }
      %dma_wait3A_122 = arith.constant 1 : i32
      %dma_wait3A_123 = arith.constant 0 : i32
      %dma_wait3A_124 = arith.constant 0 : i32
      %dma_wait3A_125 = tpu.memref_slice %arg7[%dma_wait3A_122, %dma_wait3A_123, %dma_wait3A_124] : memref<2x2x128xi32, #tpu.memory_space<vmem>> -> memref<1x1x128xi32, #tpu.memory_space<vmem>>
      %dma_wait3A_126 = tpu.memref_squeeze %dma_wait3A_125 : memref<1x1x128xi32, #tpu.memory_space<vmem>> -> memref<128xi32, #tpu.memory_space<vmem>>
      %dma_wait3A_127 = arith.constant 0 : i32
      %dma_wait3A_128 = arith.constant 0 : i32
      %dma_wait3A_129 = tpu.memref_slice %arg2[%dma_wait3A_127, %dma_wait3A_128] : memref<20000x128xf32, #tpu.memory_space<hbm>> -> memref<20000x128xf32, #tpu.memory_space<hbm>>
      tpu.wait_indirect_dma semaphore(%arg12 : memref<!tpu.dma_semaphore, #tpu.memory_space<semaphore_mem>>) src(%dma_wait3A_129 : memref<20000x128xf32, #tpu.memory_space<hbm>>) dst(%arg9 : memref<128x128xf32, #tpu.memory_space<vmem>>)
      %run_scoped3A_130 = arith.constant 1 : i32
      %run_scoped3A_131 = arith.constant 1 : i32
      "tpu.region"() ({
        %run_scoped3A_139 = tpu.sem_alloc : memref<!tpu.dma_semaphore, #tpu.memory_space<semaphore_mem>>
        %dma_start3A_140 = arith.constant 0 : i32
        %dma_start3A_141 = tpu.memref_slice %arg7[%run_scoped3A_130, %run_scoped3A_131, %dma_start3A_140] : memref<2x2x128xi32, #tpu.memory_space<vmem>> -> memref<1x1x128xi32, #tpu.memory_space<vmem>>
        %dma_start3A_142 = tpu.memref_squeeze %dma_start3A_141 : memref<1x1x128xi32, #tpu.memory_space<vmem>> -> memref<128xi32, #tpu.memory_space<vmem>>
        %dma_start3A_143 = arith.constant 0 : i32
        %dma_start3A_144 = arith.constant 0 : i32
        %dma_start3A_145 = tpu.memref_slice %arg10[%dma_start3A_143, %dma_start3A_144] : memref<10240x128xf32, #tpu.memory_space<vmem_shared>> -> memref<10240x128xf32, #tpu.memory_space<vmem_shared>>
        tpu.enqueue_indirect_dma source(%arg9 : memref<128x128xf32, #tpu.memory_space<vmem>>) target(%dma_start3A_145 : memref<10240x128xf32, #tpu.memory_space<vmem_shared>>) offsets(%dma_start3A_142 : memref<128xi32, #tpu.memory_space<vmem>>) semaphore(%run_scoped3A_139 : memref<!tpu.dma_semaphore, #tpu.memory_space<semaphore_mem>>) {add = true}
        %dma_wait3A_146 = arith.constant 0 : i32
        %dma_wait3A_147 = tpu.memref_slice %arg7[%run_scoped3A_130, %run_scoped3A_131, %dma_wait3A_146] : memref<2x2x128xi32, #tpu.memory_space<vmem>> -> memref<1x1x128xi32, #tpu.memory_space<vmem>>
        %dma_wait3A_148 = tpu.memref_squeeze %dma_wait3A_147 : memref<1x1x128xi32, #tpu.memory_space<vmem>> -> memref<128xi32, #tpu.memory_space<vmem>>
        %dma_wait3A_149 = arith.constant 0 : i32
        %dma_wait3A_150 = arith.constant 0 : i32
        %dma_wait3A_151 = tpu.memref_slice %arg10[%dma_wait3A_149, %dma_wait3A_150] : memref<10240x128xf32, #tpu.memory_space<vmem_shared>> -> memref<10240x128xf32, #tpu.memory_space<vmem_shared>>
        tpu.wait_indirect_dma semaphore(%run_scoped3A_139 : memref<!tpu.dma_semaphore, #tpu.memory_space<semaphore_mem>>) src(%arg9 : memref<128x128xf32, #tpu.memory_space<vmem>>) dst(%dma_wait3A_151 : memref<10240x128xf32, #tpu.memory_space<vmem_shared>>)
        tpu.yield
      }) : () -> ()
      %add3A_132 = arith.constant 3 : i32
      %add3A_133 = arith.addi %mul3A_81, %add3A_132 : i32
      %lt3A_134 = arith.constant 80 : i32
      %lt3A_135 = arith.cmpi slt, %add3A_133, %lt3A_134 : i32
      %convert_element_type3A_136 = arith.extui %lt3A_135 : i1 to i32
      %cond3A_137 = arith.constant 0 : i32
      %cond3A_138 = arith.cmpi ne, %convert_element_type3A_136, %cond3A_137 : i32
      scf.if %cond3A_138 {
        %add3A_139 = arith.addi %mul3A_2, %mul3A_81 : i32
        %add3A_140 = arith.constant 3 : i32
        %add3A_141 = arith.addi %add3A_139, %add3A_140 : i32
        %dma_start3A_142 = arith.constant 1 : i32
        %dma_start3A_143 = arith.constant 0 : i32
        %dma_start3A_144 = arith.constant 0 : i32
        %dma_start3A_145 = tpu.memref_slice %arg7[%dma_start3A_142, %dma_start3A_143, %dma_start3A_144] : memref<2x2x128xi32, #tpu.memory_space<vmem>> -> memref<1x2x128xi32, #tpu.memory_space<vmem>>
        %dma_start3A_146 = tpu.memref_squeeze %dma_start3A_145 : memref<1x2x128xi32, #tpu.memory_space<vmem>> -> memref<2x128xi32, #tpu.memory_space<vmem>>
        %dma_start3A_147 = arith.constant 0 : i32
        %dma_start3A_148 = arith.constant 0 : i32
        %dma_start3A_149 = tpu.memref_slice %arg3[%add3A_141, %dma_start3A_147, %dma_start3A_148] : memref<2560x2x128xi32, #tpu.memory_space<hbm>> -> memref<1x2x128xi32, #tpu.memory_space<hbm>>
        %dma_start3A_150 = tpu.memref_squeeze %dma_start3A_149 : memref<1x2x128xi32, #tpu.memory_space<hbm>> -> memref<2x128xi32, #tpu.memory_space<hbm>>
        %dma_start3A_151 = arith.constant 0 : i32
        %dma_start3A_152 = arith.constant 0 : i32
        %dma_start3A_153 = tpu.memref_slice %arg7[%dma_start3A_142, %dma_start3A_151, %dma_start3A_152] : memref<2x2x128xi32, #tpu.memory_space<vmem>> -> memref<1x2x128xi32, #tpu.memory_space<vmem>>
        %dma_start3A_154 = tpu.memref_squeeze %dma_start3A_153 : memref<1x2x128xi32, #tpu.memory_space<vmem>> -> memref<2x128xi32, #tpu.memory_space<vmem>>
        %dma_start3A_155 = arith.constant 0 : i32
        %dma_start3A_156 = arith.constant 0 : i32
        %dma_start3A_157 = tpu.memref_slice %arg3[%add3A_141, %dma_start3A_155, %dma_start3A_156] : memref<2560x2x128xi32, #tpu.memory_space<hbm>> -> memref<1x2x128xi32, #tpu.memory_space<hbm>>
        %dma_start3A_158 = tpu.memref_squeeze %dma_start3A_157 : memref<1x2x128xi32, #tpu.memory_space<hbm>> -> memref<2x128xi32, #tpu.memory_space<hbm>>
        tpu.enqueue_dma source(%dma_start3A_158 : memref<2x128xi32, #tpu.memory_space<hbm>>) target(%dma_start3A_154 : memref<2x128xi32, #tpu.memory_space<vmem>>) target_semaphore(%arg14 : memref<!tpu.dma_semaphore, #tpu.memory_space<semaphore_mem>>)
      } else {
      }
    }
    %scan3A_68 = arith.constant 40 : i32
    %barrier3A_69 = arith.constant 0 : index
    tpu.barrier barrier_id(%barrier3A_69)
    %mul3A_70 = arith.constant 640 : i32
    %mul3A_71 = arith.muli %arg1, %mul3A_70 : i32
    %eq3A = arith.constant 0 : i32
    %eq3A_72 = arith.cmpi eq, %arg0, %eq3A : i32
    %convert_element_type3A = arith.extui %eq3A_72 : i1 to i32
    %cond3A = arith.constant 0 : i32
    %cond3A_73 = arith.cmpi ne, %convert_element_type3A, %cond3A : i32
    scf.if %cond3A_73 {
      "tpu.region"() ({
        %run_scoped3A = tpu.sem_alloc : memref<!tpu.dma_semaphore, #tpu.memory_space<semaphore_mem>>
        %dma_start3A_79 = arith.constant 0 : i32
        %dma_start3A_80 = tpu.memref_slice %arg5[%mul3A_71, %dma_start3A_79] : memref<10240x128xf32, #tpu.memory_space<hbm>> -> memref<640x128xf32, #tpu.memory_space<hbm>>
        %dma_start3A_81 = arith.constant 0 : i32
        %dma_start3A_82 = tpu.memref_slice %arg10[%mul3A_71, %dma_start3A_81] : memref<10240x128xf32, #tpu.memory_space<vmem_shared>> -> memref<640x128xf32, #tpu.memory_space<vmem_shared>>
        tpu.enqueue_dma source(%dma_start3A_82 : memref<640x128xf32, #tpu.memory_space<vmem_shared>>) target(%dma_start3A_80 : memref<640x128xf32, #tpu.memory_space<hbm>>) target_semaphore(%run_scoped3A : memref<!tpu.dma_semaphore, #tpu.memory_space<semaphore_mem>>)
        %dma_wait3A_83 = arith.constant 0 : i32
        %dma_wait3A_84 = tpu.memref_slice %arg5[%mul3A_71, %dma_wait3A_83] : memref<10240x128xf32, #tpu.memory_space<hbm>> -> memref<640x128xf32, #tpu.memory_space<hbm>>
        %dma_wait3A_85 = arith.constant 0 : i32
        %dma_wait3A_86 = tpu.memref_slice %arg10[%mul3A_71, %dma_wait3A_85] : memref<10240x128xf32, #tpu.memory_space<vmem_shared>> -> memref<640x128xf32, #tpu.memory_space<vmem_shared>>
        tpu.wait_dma2 semaphore(%run_scoped3A : memref<!tpu.dma_semaphore, #tpu.memory_space<semaphore_mem>>) src(%dma_wait3A_86 : memref<640x128xf32, #tpu.memory_space<vmem_shared>>) dst(%dma_wait3A_84 : memref<640x128xf32, #tpu.memory_space<hbm>>)
        tpu.yield
      }) : () -> ()
    } else {
    }
    %eq3A_74 = arith.constant 1 : i32
    %eq3A_75 = arith.cmpi eq, %arg0, %eq3A_74 : i32
    %convert_element_type3A_76 = arith.extui %eq3A_75 : i1 to i32
    %cond3A_77 = arith.constant 0 : i32
    %cond3A_78 = arith.cmpi ne, %convert_element_type3A_76, %cond3A_77 : i32
    scf.if %cond3A_78 {
      "tpu.region"() ({
        %run_scoped3A = tpu.sem_alloc : memref<!tpu.dma_semaphore, #tpu.memory_space<semaphore_mem>>
        %dma_start3A_79 = arith.constant 0 : i32
        %dma_start3A_80 = tpu.memref_slice %arg6[%mul3A_71, %dma_start3A_79] : memref<10240x128xf32, #tpu.memory_space<hbm>> -> memref<640x128xf32, #tpu.memory_space<hbm>>
        %dma_start3A_81 = arith.constant 0 : i32
        %dma_start3A_82 = tpu.memref_slice %arg10[%mul3A_71, %dma_start3A_81] : memref<10240x128xf32, #tpu.memory_space<vmem_shared>> -> memref<640x128xf32, #tpu.memory_space<vmem_shared>>
        tpu.enqueue_dma source(%dma_start3A_82 : memref<640x128xf32, #tpu.memory_space<vmem_shared>>) target(%dma_start3A_80 : memref<640x128xf32, #tpu.memory_space<hbm>>) target_semaphore(%run_scoped3A : memref<!tpu.dma_semaphore, #tpu.memory_space<semaphore_mem>>)
        %dma_wait3A_83 = arith.constant 0 : i32
        %dma_wait3A_84 = tpu.memref_slice %arg6[%mul3A_71, %dma_wait3A_83] : memref<10240x128xf32, #tpu.memory_space<hbm>> -> memref<640x128xf32, #tpu.memory_space<hbm>>
        %dma_wait3A_85 = arith.constant 0 : i32
        %dma_wait3A_86 = tpu.memref_slice %arg10[%mul3A_71, %dma_wait3A_85] : memref<10240x128xf32, #tpu.memory_space<vmem_shared>> -> memref<640x128xf32, #tpu.memory_space<vmem_shared>>
        tpu.wait_dma2 semaphore(%run_scoped3A : memref<!tpu.dma_semaphore, #tpu.memory_space<semaphore_mem>>) src(%dma_wait3A_86 : memref<640x128xf32, #tpu.memory_space<vmem_shared>>) dst(%dma_wait3A_84 : memref<640x128xf32, #tpu.memory_space<hbm>>)
        tpu.yield
      }) : () -> ()
    } else {
    }
    return
  }
}

#map = affine_map<(d0, d1) -> (0, 0)>
#map1 = affine_map<(d0, d1) -> (0, 0, 0)>
module attributes {stable_mosaic.version = 14 : i64} {
  func.func @body(%arg0: i32, %arg1: i32, %arg2: memref<10000x128xf32, #tpu.memory_space<hbm>>, %arg3: memref<1280x2x128xi32, #tpu.memory_space<hbm>>, %arg4: memref<640x128xf32, #tpu.memory_space<hbm>>, %arg5: memref<10240x128xf32, #tpu.memory_space<hbm>>, %arg6: memref<10240x128xf32, #tpu.memory_space<hbm>>, %arg7: memref<2x2x128xi32, #tpu.memory_space<vmem>>, %arg8: memref<128x128xf32, #tpu.memory_space<vmem>>, %arg9: memref<128x128xf32, #tpu.memory_space<vmem>>, %arg10: memref<10240x128xf32, #tpu.memory_space<vmem_shared>>, %arg11: memref<!tpu.dma_semaphore, #tpu.memory_space<semaphore_mem>>, %arg12: memref<!tpu.dma_semaphore, #tpu.memory_space<semaphore_mem>>, %arg13: memref<!tpu.dma_semaphore, #tpu.memory_space<semaphore_mem>>, %arg14: memref<!tpu.dma_semaphore, #tpu.memory_space<semaphore_mem>>) attributes {dimension_semantics = [#tpu.dimension_semantics<core_parallel>, #tpu.dimension_semantics<subcore_parallel>], iteration_bounds = array<i64: 2, 16>, scalar_prefetch = 0 : i64, scratch_operands = 8 : i64, tpu.core_type = #tpu.core_type<sc_vector_subcore>, window_params = [{transform_indices = #map}, {transform_indices = #map1}, {transform_indices = #map}, {transform_indices = #map}, {transform_indices = #map}]} {
    %mul3A = arith.constant 16 : i32
    %mul3A_0 = arith.muli %arg0, %mul3A : i32
    %add3A = arith.addi %mul3A_0, %arg1 : i32
    %mul3A_1 = arith.constant 40 : i32
    %mul3A_2 = arith.muli %add3A, %mul3A_1 : i32
    %mul3A_3 = arith.constant 640 : i32
    %mul3A_4 = arith.muli %arg1, %mul3A_3 : i32
    "tpu.region"() ({
      %run_scoped3A = tpu.sem_alloc : memref<!tpu.dma_semaphore, #tpu.memory_space<semaphore_mem>>
      %dma_start3A_79 = arith.constant 0 : i32
      %dma_start3A_80 = tpu.memref_slice %arg10[%mul3A_4, %dma_start3A_79] : memref<10240x128xf32, #tpu.memory_space<vmem_shared>> -> memref<640x128xf32, #tpu.memory_space<vmem_shared>>
      tpu.enqueue_dma source(%arg4 : memref<640x128xf32, #tpu.memory_space<hbm>>) target(%dma_start3A_80 : memref<640x128xf32, #tpu.memory_space<vmem_shared>>) target_semaphore(%run_scoped3A : memref<!tpu.dma_semaphore, #tpu.memory_space<semaphore_mem>>)
      %dma_wait3A_81 = arith.constant 0 : i32
      %dma_wait3A_82 = tpu.memref_slice %arg10[%mul3A_4, %dma_wait3A_81] : memref<10240x128xf32, #tpu.memory_space<vmem_shared>> -> memref<640x128xf32, #tpu.memory_space<vmem_shared>>
      tpu.wait_dma2 semaphore(%run_scoped3A : memref<!tpu.dma_semaphore, #tpu.memory_space<semaphore_mem>>) src(%arg4 : memref<640x128xf32, #tpu.memory_space<hbm>>) dst(%dma_wait3A_82 : memref<640x128xf32, #tpu.memory_space<vmem_shared>>)
      tpu.yield
    }) : () -> ()
    %barrier3A = arith.constant 0 : index
    tpu.barrier barrier_id(%barrier3A)
    %dma_start3A = arith.constant 0 : i32
    %dma_start3A_5 = arith.constant 0 : i32
    %dma_start3A_6 = arith.constant 0 : i32
    %dma_start3A_7 = tpu.memref_slice %arg7[%dma_start3A, %dma_start3A_5, %dma_start3A_6] : memref<2x2x128xi32, #tpu.memory_space<vmem>> -> memref<1x2x128xi32, #tpu.memory_space<vmem>>
    %dma_start3A_8 = tpu.memref_squeeze %dma_start3A_7 : memref<1x2x128xi32, #tpu.memory_space<vmem>> -> memref<2x128xi32, #tpu.memory_space<vmem>>
    %dma_start3A_9 = arith.constant 0 : i32
    %dma_start3A_10 = arith.constant 0 : i32
    %dma_start3A_11 = tpu.memref_slice %arg3[%mul3A_2, %dma_start3A_9, %dma_start3A_10] : memref<1280x2x128xi32, #tpu.memory_space<hbm>> -> memref<1x2x128xi32, #tpu.memory_space<hbm>>
    %dma_start3A_12 = tpu.memref_squeeze %dma_start3A_11 : memref<1x2x128xi32, #tpu.memory_space<hbm>> -> memref<2x128xi32, #tpu.memory_space<hbm>>
    %dma_start3A_13 = arith.constant 0 : i32
    %dma_start3A_14 = arith.constant 0 : i32
    %dma_start3A_15 = tpu.memref_slice %arg7[%dma_start3A, %dma_start3A_13, %dma_start3A_14] : memref<2x2x128xi32, #tpu.memory_space<vmem>> -> memref<1x2x128xi32, #tpu.memory_space<vmem>>
    %dma_start3A_16 = tpu.memref_squeeze %dma_start3A_15 : memref<1x2x128xi32, #tpu.memory_space<vmem>> -> memref<2x128xi32, #tpu.memory_space<vmem>>
    %dma_start3A_17 = arith.constant 0 : i32
    %dma_start3A_18 = arith.constant 0 : i32
    %dma_start3A_19 = tpu.memref_slice %arg3[%mul3A_2, %dma_start3A_17, %dma_start3A_18] : memref<1280x2x128xi32, #tpu.memory_space<hbm>> -> memref<1x2x128xi32, #tpu.memory_space<hbm>>
    %dma_start3A_20 = tpu.memref_squeeze %dma_start3A_19 : memref<1x2x128xi32, #tpu.memory_space<hbm>> -> memref<2x128xi32, #tpu.memory_space<hbm>>
    tpu.enqueue_dma source(%dma_start3A_20 : memref<2x128xi32, #tpu.memory_space<hbm>>) target(%dma_start3A_16 : memref<2x128xi32, #tpu.memory_space<vmem>>) target_semaphore(%arg13 : memref<!tpu.dma_semaphore, #tpu.memory_space<semaphore_mem>>)
    %add3A_21 = arith.constant 1 : i32
    %add3A_22 = arith.addi %mul3A_2, %add3A_21 : i32
    %dma_start3A_23 = arith.constant 1 : i32
    %dma_start3A_24 = arith.constant 0 : i32
    %dma_start3A_25 = arith.constant 0 : i32
    %dma_start3A_26 = tpu.memref_slice %arg7[%dma_start3A_23, %dma_start3A_24, %dma_start3A_25] : memref<2x2x128xi32, #tpu.memory_space<vmem>> -> memref<1x2x128xi32, #tpu.memory_space<vmem>>
    %dma_start3A_27 = tpu.memref_squeeze %dma_start3A_26 : memref<1x2x128xi32, #tpu.memory_space<vmem>> -> memref<2x128xi32, #tpu.memory_space<vmem>>
    %dma_start3A_28 = arith.constant 0 : i32
    %dma_start3A_29 = arith.constant 0 : i32
    %dma_start3A_30 = tpu.memref_slice %arg3[%add3A_22, %dma_start3A_28, %dma_start3A_29] : memref<1280x2x128xi32, #tpu.memory_space<hbm>> -> memref<1x2x128xi32, #tpu.memory_space<hbm>>
    %dma_start3A_31 = tpu.memref_squeeze %dma_start3A_30 : memref<1x2x128xi32, #tpu.memory_space<hbm>> -> memref<2x128xi32, #tpu.memory_space<hbm>>
    %dma_start3A_32 = arith.constant 0 : i32
    %dma_start3A_33 = arith.constant 0 : i32
    %dma_start3A_34 = tpu.memref_slice %arg7[%dma_start3A_23, %dma_start3A_32, %dma_start3A_33] : memref<2x2x128xi32, #tpu.memory_space<vmem>> -> memref<1x2x128xi32, #tpu.memory_space<vmem>>
    %dma_start3A_35 = tpu.memref_squeeze %dma_start3A_34 : memref<1x2x128xi32, #tpu.memory_space<vmem>> -> memref<2x128xi32, #tpu.memory_space<vmem>>
    %dma_start3A_36 = arith.constant 0 : i32
    %dma_start3A_37 = arith.constant 0 : i32
    %dma_start3A_38 = tpu.memref_slice %arg3[%add3A_22, %dma_start3A_36, %dma_start3A_37] : memref<1280x2x128xi32, #tpu.memory_space<hbm>> -> memref<1x2x128xi32, #tpu.memory_space<hbm>>
    %dma_start3A_39 = tpu.memref_squeeze %dma_start3A_38 : memref<1x2x128xi32, #tpu.memory_space<hbm>> -> memref<2x128xi32, #tpu.memory_space<hbm>>
    tpu.enqueue_dma source(%dma_start3A_39 : memref<2x128xi32, #tpu.memory_space<hbm>>) target(%dma_start3A_35 : memref<2x128xi32, #tpu.memory_space<vmem>>) target_semaphore(%arg14 : memref<!tpu.dma_semaphore, #tpu.memory_space<semaphore_mem>>)
    %dma_wait3A = arith.constant 0 : i32
    %dma_wait3A_40 = arith.constant 0 : i32
    %dma_wait3A_41 = arith.constant 0 : i32
    %dma_wait3A_42 = tpu.memref_slice %arg7[%dma_wait3A, %dma_wait3A_40, %dma_wait3A_41] : memref<2x2x128xi32, #tpu.memory_space<vmem>> -> memref<1x2x128xi32, #tpu.memory_space<vmem>>
    %dma_wait3A_43 = tpu.memref_squeeze %dma_wait3A_42 : memref<1x2x128xi32, #tpu.memory_space<vmem>> -> memref<2x128xi32, #tpu.memory_space<vmem>>
    %dma_wait3A_44 = arith.constant 0 : i32
    %dma_wait3A_45 = arith.constant 0 : i32
    %dma_wait3A_46 = tpu.memref_slice %arg3[%mul3A_2, %dma_wait3A_44, %dma_wait3A_45] : memref<1280x2x128xi32, #tpu.memory_space<hbm>> -> memref<1x2x128xi32, #tpu.memory_space<hbm>>
    %dma_wait3A_47 = tpu.memref_squeeze %dma_wait3A_46 : memref<1x2x128xi32, #tpu.memory_space<hbm>> -> memref<2x128xi32, #tpu.memory_space<hbm>>
    %dma_wait3A_48 = arith.constant 0 : i32
    %dma_wait3A_49 = arith.constant 0 : i32
    %dma_wait3A_50 = tpu.memref_slice %arg7[%dma_wait3A, %dma_wait3A_48, %dma_wait3A_49] : memref<2x2x128xi32, #tpu.memory_space<vmem>> -> memref<1x2x128xi32, #tpu.memory_space<vmem>>
    %dma_wait3A_51 = tpu.memref_squeeze %dma_wait3A_50 : memref<1x2x128xi32, #tpu.memory_space<vmem>> -> memref<2x128xi32, #tpu.memory_space<vmem>>
    %dma_wait3A_52 = arith.constant 0 : i32
    %dma_wait3A_53 = arith.constant 0 : i32
    %dma_wait3A_54 = tpu.memref_slice %arg3[%mul3A_2, %dma_wait3A_52, %dma_wait3A_53] : memref<1280x2x128xi32, #tpu.memory_space<hbm>> -> memref<1x2x128xi32, #tpu.memory_space<hbm>>
    %dma_wait3A_55 = tpu.memref_squeeze %dma_wait3A_54 : memref<1x2x128xi32, #tpu.memory_space<hbm>> -> memref<2x128xi32, #tpu.memory_space<hbm>>
    tpu.wait_dma2 semaphore(%arg13 : memref<!tpu.dma_semaphore, #tpu.memory_space<semaphore_mem>>) src(%dma_wait3A_55 : memref<2x128xi32, #tpu.memory_space<hbm>>) dst(%dma_wait3A_51 : memref<2x128xi32, #tpu.memory_space<vmem>>)
    %dma_start3A_56 = arith.constant 0 : i32
    %dma_start3A_57 = arith.constant 0 : i32
    %dma_start3A_58 = arith.constant 0 : i32
    %dma_start3A_59 = tpu.memref_slice %arg7[%dma_start3A_56, %dma_start3A_57, %dma_start3A_58] : memref<2x2x128xi32, #tpu.memory_space<vmem>> -> memref<1x1x128xi32, #tpu.memory_space<vmem>>
    %dma_start3A_60 = tpu.memref_squeeze %dma_start3A_59 : memref<1x1x128xi32, #tpu.memory_space<vmem>> -> memref<128xi32, #tpu.memory_space<vmem>>
    %dma_start3A_61 = arith.constant 0 : i32
    %dma_start3A_62 = arith.constant 0 : i32
    %dma_start3A_63 = tpu.memref_slice %arg2[%dma_start3A_61, %dma_start3A_62] : memref<10000x128xf32, #tpu.memory_space<hbm>> -> memref<10000x128xf32, #tpu.memory_space<hbm>>
    tpu.enqueue_indirect_dma source(%dma_start3A_63 : memref<10000x128xf32, #tpu.memory_space<hbm>>) target(%arg8 : memref<128x128xf32, #tpu.memory_space<vmem>>) offsets(%dma_start3A_60 : memref<128xi32, #tpu.memory_space<vmem>>) semaphore(%arg11 : memref<!tpu.dma_semaphore, #tpu.memory_space<semaphore_mem>>)
    %scan3A = arith.constant 0 : i32
    %scan3A_64 = arith.constant 0 : i32
    %scan3A_65 = arith.constant 20 : i32
    %scan3A_66 = arith.addi %scan3A_64, %scan3A_65 : i32
    %scan3A_67 = arith.constant 1 : i32
    scf.for %scan3A_79 = %scan3A_64 to %scan3A_66 step %scan3A_67  : i32 {
      %mul3A_80 = arith.constant 2 : i32
      %mul3A_81 = arith.muli %mul3A_80, %scan3A_79 : i32
      %dma_wait3A_82 = arith.constant 1 : i32
      %dma_wait3A_83 = arith.constant 0 : i32
      %dma_wait3A_84 = arith.constant 0 : i32
      %dma_wait3A_85 = tpu.memref_slice %arg7[%dma_wait3A_82, %dma_wait3A_83, %dma_wait3A_84] : memref<2x2x128xi32, #tpu.memory_space<vmem>> -> memref<1x2x128xi32, #tpu.memory_space<vmem>>
      %dma_wait3A_86 = tpu.memref_squeeze %dma_wait3A_85 : memref<1x2x128xi32, #tpu.memory_space<vmem>> -> memref<2x128xi32, #tpu.memory_space<vmem>>
      %dma_wait3A_87 = arith.constant 0 : i32
      %dma_wait3A_88 = arith.constant 0 : i32
      %dma_wait3A_89 = tpu.memref_slice %arg3[%mul3A_2, %dma_wait3A_87, %dma_wait3A_88] : memref<1280x2x128xi32, #tpu.memory_space<hbm>> -> memref<1x2x128xi32, #tpu.memory_space<hbm>>
      %dma_wait3A_90 = tpu.memref_squeeze %dma_wait3A_89 : memref<1x2x128xi32, #tpu.memory_space<hbm>> -> memref<2x128xi32, #tpu.memory_space<hbm>>
      %dma_wait3A_91 = arith.constant 0 : i32
      %dma_wait3A_92 = arith.constant 0 : i32
      %dma_wait3A_93 = tpu.memref_slice %arg7[%dma_wait3A_82, %dma_wait3A_91, %dma_wait3A_92] : memref<2x2x128xi32, #tpu.memory_space<vmem>> -> memref<1x2x128xi32, #tpu.memory_space<vmem>>
      %dma_wait3A_94 = tpu.memref_squeeze %dma_wait3A_93 : memref<1x2x128xi32, #tpu.memory_space<vmem>> -> memref<2x128xi32, #tpu.memory_space<vmem>>
      %dma_wait3A_95 = arith.constant 0 : i32
      %dma_wait3A_96 = arith.constant 0 : i32
      %dma_wait3A_97 = tpu.memref_slice %arg3[%mul3A_2, %dma_wait3A_95, %dma_wait3A_96] : memref<1280x2x128xi32, #tpu.memory_space<hbm>> -> memref<1x2x128xi32, #tpu.memory_space<hbm>>
      %dma_wait3A_98 = tpu.memref_squeeze %dma_wait3A_97 : memref<1x2x128xi32, #tpu.memory_space<hbm>> -> memref<2x128xi32, #tpu.memory_space<hbm>>
      tpu.wait_dma2 semaphore(%arg14 : memref<!tpu.dma_semaphore, #tpu.memory_space<semaphore_mem>>) src(%dma_wait3A_98 : memref<2x128xi32, #tpu.memory_space<hbm>>) dst(%dma_wait3A_94 : memref<2x128xi32, #tpu.memory_space<vmem>>)
      %dma_start3A_99 = arith.constant 1 : i32
      %dma_start3A_100 = arith.constant 0 : i32
      %dma_start3A_101 = arith.constant 0 : i32
      %dma_start3A_102 = tpu.memref_slice %arg7[%dma_start3A_99, %dma_start3A_100, %dma_start3A_101] : memref<2x2x128xi32, #tpu.memory_space<vmem>> -> memref<1x1x128xi32, #tpu.memory_space<vmem>>
      %dma_start3A_103 = tpu.memref_squeeze %dma_start3A_102 : memref<1x1x128xi32, #tpu.memory_space<vmem>> -> memref<128xi32, #tpu.memory_space<vmem>>
      %dma_start3A_104 = arith.constant 0 : i32
      %dma_start3A_105 = arith.constant 0 : i32
      %dma_start3A_106 = tpu.memref_slice %arg2[%dma_start3A_104, %dma_start3A_105] : memref<10000x128xf32, #tpu.memory_space<hbm>> -> memref<10000x128xf32, #tpu.memory_space<hbm>>
      tpu.enqueue_indirect_dma source(%dma_start3A_106 : memref<10000x128xf32, #tpu.memory_space<hbm>>) target(%arg9 : memref<128x128xf32, #tpu.memory_space<vmem>>) offsets(%dma_start3A_103 : memref<128xi32, #tpu.memory_space<vmem>>) semaphore(%arg12 : memref<!tpu.dma_semaphore, #tpu.memory_space<semaphore_mem>>)
      %dma_wait3A_107 = arith.constant 0 : i32
      %dma_wait3A_108 = arith.constant 0 : i32
      %dma_wait3A_109 = arith.constant 0 : i32
      %dma_wait3A_110 = tpu.memref_slice %arg7[%dma_wait3A_107, %dma_wait3A_108, %dma_wait3A_109] : memref<2x2x128xi32, #tpu.memory_space<vmem>> -> memref<1x1x128xi32, #tpu.memory_space<vmem>>
      %dma_wait3A_111 = tpu.memref_squeeze %dma_wait3A_110 : memref<1x1x128xi32, #tpu.memory_space<vmem>> -> memref<128xi32, #tpu.memory_space<vmem>>
      %dma_wait3A_112 = arith.constant 0 : i32
      %dma_wait3A_113 = arith.constant 0 : i32
      %dma_wait3A_114 = tpu.memref_slice %arg2[%dma_wait3A_112, %dma_wait3A_113] : memref<10000x128xf32, #tpu.memory_space<hbm>> -> memref<10000x128xf32, #tpu.memory_space<hbm>>
      tpu.wait_indirect_dma semaphore(%arg11 : memref<!tpu.dma_semaphore, #tpu.memory_space<semaphore_mem>>) src(%dma_wait3A_114 : memref<10000x128xf32, #tpu.memory_space<hbm>>) dst(%arg8 : memref<128x128xf32, #tpu.memory_space<vmem>>)
      %run_scoped3A = arith.constant 0 : i32
      %run_scoped3A_115 = arith.constant 1 : i32
      "tpu.region"() ({
        %run_scoped3A_139 = tpu.sem_alloc : memref<!tpu.dma_semaphore, #tpu.memory_space<semaphore_mem>>
        %dma_start3A_140 = arith.constant 0 : i32
        %dma_start3A_141 = tpu.memref_slice %arg7[%run_scoped3A, %run_scoped3A_115, %dma_start3A_140] : memref<2x2x128xi32, #tpu.memory_space<vmem>> -> memref<1x1x128xi32, #tpu.memory_space<vmem>>
        %dma_start3A_142 = tpu.memref_squeeze %dma_start3A_141 : memref<1x1x128xi32, #tpu.memory_space<vmem>> -> memref<128xi32, #tpu.memory_space<vmem>>
        %dma_start3A_143 = arith.constant 0 : i32
        %dma_start3A_144 = arith.constant 0 : i32
        %dma_start3A_145 = tpu.memref_slice %arg10[%dma_start3A_143, %dma_start3A_144] : memref<10240x128xf32, #tpu.memory_space<vmem_shared>> -> memref<10240x128xf32, #tpu.memory_space<vmem_shared>>
        tpu.enqueue_indirect_dma source(%arg8 : memref<128x128xf32, #tpu.memory_space<vmem>>) target(%dma_start3A_145 : memref<10240x128xf32, #tpu.memory_space<vmem_shared>>) offsets(%dma_start3A_142 : memref<128xi32, #tpu.memory_space<vmem>>) semaphore(%run_scoped3A_139 : memref<!tpu.dma_semaphore, #tpu.memory_space<semaphore_mem>>) {add = true}
        %dma_wait3A_146 = arith.constant 0 : i32
        %dma_wait3A_147 = tpu.memref_slice %arg7[%run_scoped3A, %run_scoped3A_115, %dma_wait3A_146] : memref<2x2x128xi32, #tpu.memory_space<vmem>> -> memref<1x1x128xi32, #tpu.memory_space<vmem>>
        %dma_wait3A_148 = tpu.memref_squeeze %dma_wait3A_147 : memref<1x1x128xi32, #tpu.memory_space<vmem>> -> memref<128xi32, #tpu.memory_space<vmem>>
        %dma_wait3A_149 = arith.constant 0 : i32
        %dma_wait3A_150 = arith.constant 0 : i32
        %dma_wait3A_151 = tpu.memref_slice %arg10[%dma_wait3A_149, %dma_wait3A_150] : memref<10240x128xf32, #tpu.memory_space<vmem_shared>> -> memref<10240x128xf32, #tpu.memory_space<vmem_shared>>
        tpu.wait_indirect_dma semaphore(%run_scoped3A_139 : memref<!tpu.dma_semaphore, #tpu.memory_space<semaphore_mem>>) src(%arg8 : memref<128x128xf32, #tpu.memory_space<vmem>>) dst(%dma_wait3A_151 : memref<10240x128xf32, #tpu.memory_space<vmem_shared>>)
        tpu.yield
      }) : () -> ()
      %add3A_116 = arith.constant 2 : i32
      %add3A_117 = arith.addi %mul3A_81, %add3A_116 : i32
      %lt3A = arith.constant 40 : i32
      %lt3A_118 = arith.cmpi slt, %add3A_117, %lt3A : i32
      %convert_element_type3A_119 = arith.extui %lt3A_118 : i1 to i32
      %cond3A_120 = arith.constant 0 : i32
      %cond3A_121 = arith.cmpi ne, %convert_element_type3A_119, %cond3A_120 : i32
      scf.if %cond3A_121 {
        %add3A_139 = arith.addi %mul3A_2, %mul3A_81 : i32
        %add3A_140 = arith.constant 2 : i32
        %add3A_141 = arith.addi %add3A_139, %add3A_140 : i32
        %dma_start3A_142 = arith.constant 0 : i32
        %dma_start3A_143 = arith.constant 0 : i32
        %dma_start3A_144 = arith.constant 0 : i32
        %dma_start3A_145 = tpu.memref_slice %arg7[%dma_start3A_142, %dma_start3A_143, %dma_start3A_144] : memref<2x2x128xi32, #tpu.memory_space<vmem>> -> memref<1x2x128xi32, #tpu.memory_space<vmem>>
        %dma_start3A_146 = tpu.memref_squeeze %dma_start3A_145 : memref<1x2x128xi32, #tpu.memory_space<vmem>> -> memref<2x128xi32, #tpu.memory_space<vmem>>
        %dma_start3A_147 = arith.constant 0 : i32
        %dma_start3A_148 = arith.constant 0 : i32
        %dma_start3A_149 = tpu.memref_slice %arg3[%add3A_141, %dma_start3A_147, %dma_start3A_148] : memref<1280x2x128xi32, #tpu.memory_space<hbm>> -> memref<1x2x128xi32, #tpu.memory_space<hbm>>
        %dma_start3A_150 = tpu.memref_squeeze %dma_start3A_149 : memref<1x2x128xi32, #tpu.memory_space<hbm>> -> memref<2x128xi32, #tpu.memory_space<hbm>>
        %dma_start3A_151 = arith.constant 0 : i32
        %dma_start3A_152 = arith.constant 0 : i32
        %dma_start3A_153 = tpu.memref_slice %arg7[%dma_start3A_142, %dma_start3A_151, %dma_start3A_152] : memref<2x2x128xi32, #tpu.memory_space<vmem>> -> memref<1x2x128xi32, #tpu.memory_space<vmem>>
        %dma_start3A_154 = tpu.memref_squeeze %dma_start3A_153 : memref<1x2x128xi32, #tpu.memory_space<vmem>> -> memref<2x128xi32, #tpu.memory_space<vmem>>
        %dma_start3A_155 = arith.constant 0 : i32
        %dma_start3A_156 = arith.constant 0 : i32
        %dma_start3A_157 = tpu.memref_slice %arg3[%add3A_141, %dma_start3A_155, %dma_start3A_156] : memref<1280x2x128xi32, #tpu.memory_space<hbm>> -> memref<1x2x128xi32, #tpu.memory_space<hbm>>
        %dma_start3A_158 = tpu.memref_squeeze %dma_start3A_157 : memref<1x2x128xi32, #tpu.memory_space<hbm>> -> memref<2x128xi32, #tpu.memory_space<hbm>>
        tpu.enqueue_dma source(%dma_start3A_158 : memref<2x128xi32, #tpu.memory_space<hbm>>) target(%dma_start3A_154 : memref<2x128xi32, #tpu.memory_space<vmem>>) target_semaphore(%arg13 : memref<!tpu.dma_semaphore, #tpu.memory_space<semaphore_mem>>)
        %dma_wait3A_159 = arith.constant 0 : i32
        %dma_wait3A_160 = arith.constant 0 : i32
        %dma_wait3A_161 = arith.constant 0 : i32
        %dma_wait3A_162 = tpu.memref_slice %arg7[%dma_wait3A_159, %dma_wait3A_160, %dma_wait3A_161] : memref<2x2x128xi32, #tpu.memory_space<vmem>> -> memref<1x2x128xi32, #tpu.memory_space<vmem>>
        %dma_wait3A_163 = tpu.memref_squeeze %dma_wait3A_162 : memref<1x2x128xi32, #tpu.memory_space<vmem>> -> memref<2x128xi32, #tpu.memory_space<vmem>>
        %dma_wait3A_164 = arith.constant 0 : i32
        %dma_wait3A_165 = arith.constant 0 : i32
        %dma_wait3A_166 = tpu.memref_slice %arg3[%mul3A_2, %dma_wait3A_164, %dma_wait3A_165] : memref<1280x2x128xi32, #tpu.memory_space<hbm>> -> memref<1x2x128xi32, #tpu.memory_space<hbm>>
        %dma_wait3A_167 = tpu.memref_squeeze %dma_wait3A_166 : memref<1x2x128xi32, #tpu.memory_space<hbm>> -> memref<2x128xi32, #tpu.memory_space<hbm>>
        %dma_wait3A_168 = arith.constant 0 : i32
        %dma_wait3A_169 = arith.constant 0 : i32
        %dma_wait3A_170 = tpu.memref_slice %arg7[%dma_wait3A_159, %dma_wait3A_168, %dma_wait3A_169] : memref<2x2x128xi32, #tpu.memory_space<vmem>> -> memref<1x2x128xi32, #tpu.memory_space<vmem>>
        %dma_wait3A_171 = tpu.memref_squeeze %dma_wait3A_170 : memref<1x2x128xi32, #tpu.memory_space<vmem>> -> memref<2x128xi32, #tpu.memory_space<vmem>>
        %dma_wait3A_172 = arith.constant 0 : i32
        %dma_wait3A_173 = arith.constant 0 : i32
        %dma_wait3A_174 = tpu.memref_slice %arg3[%mul3A_2, %dma_wait3A_172, %dma_wait3A_173] : memref<1280x2x128xi32, #tpu.memory_space<hbm>> -> memref<1x2x128xi32, #tpu.memory_space<hbm>>
        %dma_wait3A_175 = tpu.memref_squeeze %dma_wait3A_174 : memref<1x2x128xi32, #tpu.memory_space<hbm>> -> memref<2x128xi32, #tpu.memory_space<hbm>>
        tpu.wait_dma2 semaphore(%arg13 : memref<!tpu.dma_semaphore, #tpu.memory_space<semaphore_mem>>) src(%dma_wait3A_175 : memref<2x128xi32, #tpu.memory_space<hbm>>) dst(%dma_wait3A_171 : memref<2x128xi32, #tpu.memory_space<vmem>>)
        %dma_start3A_176 = arith.constant 0 : i32
        %dma_start3A_177 = arith.constant 0 : i32
        %dma_start3A_178 = arith.constant 0 : i32
        %dma_start3A_179 = tpu.memref_slice %arg7[%dma_start3A_176, %dma_start3A_177, %dma_start3A_178] : memref<2x2x128xi32, #tpu.memory_space<vmem>> -> memref<1x1x128xi32, #tpu.memory_space<vmem>>
        %dma_start3A_180 = tpu.memref_squeeze %dma_start3A_179 : memref<1x1x128xi32, #tpu.memory_space<vmem>> -> memref<128xi32, #tpu.memory_space<vmem>>
        %dma_start3A_181 = arith.constant 0 : i32
        %dma_start3A_182 = arith.constant 0 : i32
        %dma_start3A_183 = tpu.memref_slice %arg2[%dma_start3A_181, %dma_start3A_182] : memref<10000x128xf32, #tpu.memory_space<hbm>> -> memref<10000x128xf32, #tpu.memory_space<hbm>>
        tpu.enqueue_indirect_dma source(%dma_start3A_183 : memref<10000x128xf32, #tpu.memory_space<hbm>>) target(%arg8 : memref<128x128xf32, #tpu.memory_space<vmem>>) offsets(%dma_start3A_180 : memref<128xi32, #tpu.memory_space<vmem>>) semaphore(%arg11 : memref<!tpu.dma_semaphore, #tpu.memory_space<semaphore_mem>>)
      } else {
      }
      %dma_wait3A_122 = arith.constant 1 : i32
      %dma_wait3A_123 = arith.constant 0 : i32
      %dma_wait3A_124 = arith.constant 0 : i32
      %dma_wait3A_125 = tpu.memref_slice %arg7[%dma_wait3A_122, %dma_wait3A_123, %dma_wait3A_124] : memref<2x2x128xi32, #tpu.memory_space<vmem>> -> memref<1x1x128xi32, #tpu.memory_space<vmem>>
      %dma_wait3A_126 = tpu.memref_squeeze %dma_wait3A_125 : memref<1x1x128xi32, #tpu.memory_space<vmem>> -> memref<128xi32, #tpu.memory_space<vmem>>
      %dma_wait3A_127 = arith.constant 0 : i32
      %dma_wait3A_128 = arith.constant 0 : i32
      %dma_wait3A_129 = tpu.memref_slice %arg2[%dma_wait3A_127, %dma_wait3A_128] : memref<10000x128xf32, #tpu.memory_space<hbm>> -> memref<10000x128xf32, #tpu.memory_space<hbm>>
      tpu.wait_indirect_dma semaphore(%arg12 : memref<!tpu.dma_semaphore, #tpu.memory_space<semaphore_mem>>) src(%dma_wait3A_129 : memref<10000x128xf32, #tpu.memory_space<hbm>>) dst(%arg9 : memref<128x128xf32, #tpu.memory_space<vmem>>)
      %run_scoped3A_130 = arith.constant 1 : i32
      %run_scoped3A_131 = arith.constant 1 : i32
      "tpu.region"() ({
        %run_scoped3A_139 = tpu.sem_alloc : memref<!tpu.dma_semaphore, #tpu.memory_space<semaphore_mem>>
        %dma_start3A_140 = arith.constant 0 : i32
        %dma_start3A_141 = tpu.memref_slice %arg7[%run_scoped3A_130, %run_scoped3A_131, %dma_start3A_140] : memref<2x2x128xi32, #tpu.memory_space<vmem>> -> memref<1x1x128xi32, #tpu.memory_space<vmem>>
        %dma_start3A_142 = tpu.memref_squeeze %dma_start3A_141 : memref<1x1x128xi32, #tpu.memory_space<vmem>> -> memref<128xi32, #tpu.memory_space<vmem>>
        %dma_start3A_143 = arith.constant 0 : i32
        %dma_start3A_144 = arith.constant 0 : i32
        %dma_start3A_145 = tpu.memref_slice %arg10[%dma_start3A_143, %dma_start3A_144] : memref<10240x128xf32, #tpu.memory_space<vmem_shared>> -> memref<10240x128xf32, #tpu.memory_space<vmem_shared>>
        tpu.enqueue_indirect_dma source(%arg9 : memref<128x128xf32, #tpu.memory_space<vmem>>) target(%dma_start3A_145 : memref<10240x128xf32, #tpu.memory_space<vmem_shared>>) offsets(%dma_start3A_142 : memref<128xi32, #tpu.memory_space<vmem>>) semaphore(%run_scoped3A_139 : memref<!tpu.dma_semaphore, #tpu.memory_space<semaphore_mem>>) {add = true}
        %dma_wait3A_146 = arith.constant 0 : i32
        %dma_wait3A_147 = tpu.memref_slice %arg7[%run_scoped3A_130, %run_scoped3A_131, %dma_wait3A_146] : memref<2x2x128xi32, #tpu.memory_space<vmem>> -> memref<1x1x128xi32, #tpu.memory_space<vmem>>
        %dma_wait3A_148 = tpu.memref_squeeze %dma_wait3A_147 : memref<1x1x128xi32, #tpu.memory_space<vmem>> -> memref<128xi32, #tpu.memory_space<vmem>>
        %dma_wait3A_149 = arith.constant 0 : i32
        %dma_wait3A_150 = arith.constant 0 : i32
        %dma_wait3A_151 = tpu.memref_slice %arg10[%dma_wait3A_149, %dma_wait3A_150] : memref<10240x128xf32, #tpu.memory_space<vmem_shared>> -> memref<10240x128xf32, #tpu.memory_space<vmem_shared>>
        tpu.wait_indirect_dma semaphore(%run_scoped3A_139 : memref<!tpu.dma_semaphore, #tpu.memory_space<semaphore_mem>>) src(%arg9 : memref<128x128xf32, #tpu.memory_space<vmem>>) dst(%dma_wait3A_151 : memref<10240x128xf32, #tpu.memory_space<vmem_shared>>)
        tpu.yield
      }) : () -> ()
      %add3A_132 = arith.constant 3 : i32
      %add3A_133 = arith.addi %mul3A_81, %add3A_132 : i32
      %lt3A_134 = arith.constant 40 : i32
      %lt3A_135 = arith.cmpi slt, %add3A_133, %lt3A_134 : i32
      %convert_element_type3A_136 = arith.extui %lt3A_135 : i1 to i32
      %cond3A_137 = arith.constant 0 : i32
      %cond3A_138 = arith.cmpi ne, %convert_element_type3A_136, %cond3A_137 : i32
      scf.if %cond3A_138 {
        %add3A_139 = arith.addi %mul3A_2, %mul3A_81 : i32
        %add3A_140 = arith.constant 3 : i32
        %add3A_141 = arith.addi %add3A_139, %add3A_140 : i32
        %dma_start3A_142 = arith.constant 1 : i32
        %dma_start3A_143 = arith.constant 0 : i32
        %dma_start3A_144 = arith.constant 0 : i32
        %dma_start3A_145 = tpu.memref_slice %arg7[%dma_start3A_142, %dma_start3A_143, %dma_start3A_144] : memref<2x2x128xi32, #tpu.memory_space<vmem>> -> memref<1x2x128xi32, #tpu.memory_space<vmem>>
        %dma_start3A_146 = tpu.memref_squeeze %dma_start3A_145 : memref<1x2x128xi32, #tpu.memory_space<vmem>> -> memref<2x128xi32, #tpu.memory_space<vmem>>
        %dma_start3A_147 = arith.constant 0 : i32
        %dma_start3A_148 = arith.constant 0 : i32
        %dma_start3A_149 = tpu.memref_slice %arg3[%add3A_141, %dma_start3A_147, %dma_start3A_148] : memref<1280x2x128xi32, #tpu.memory_space<hbm>> -> memref<1x2x128xi32, #tpu.memory_space<hbm>>
        %dma_start3A_150 = tpu.memref_squeeze %dma_start3A_149 : memref<1x2x128xi32, #tpu.memory_space<hbm>> -> memref<2x128xi32, #tpu.memory_space<hbm>>
        %dma_start3A_151 = arith.constant 0 : i32
        %dma_start3A_152 = arith.constant 0 : i32
        %dma_start3A_153 = tpu.memref_slice %arg7[%dma_start3A_142, %dma_start3A_151, %dma_start3A_152] : memref<2x2x128xi32, #tpu.memory_space<vmem>> -> memref<1x2x128xi32, #tpu.memory_space<vmem>>
        %dma_start3A_154 = tpu.memref_squeeze %dma_start3A_153 : memref<1x2x128xi32, #tpu.memory_space<vmem>> -> memref<2x128xi32, #tpu.memory_space<vmem>>
        %dma_start3A_155 = arith.constant 0 : i32
        %dma_start3A_156 = arith.constant 0 : i32
        %dma_start3A_157 = tpu.memref_slice %arg3[%add3A_141, %dma_start3A_155, %dma_start3A_156] : memref<1280x2x128xi32, #tpu.memory_space<hbm>> -> memref<1x2x128xi32, #tpu.memory_space<hbm>>
        %dma_start3A_158 = tpu.memref_squeeze %dma_start3A_157 : memref<1x2x128xi32, #tpu.memory_space<hbm>> -> memref<2x128xi32, #tpu.memory_space<hbm>>
        tpu.enqueue_dma source(%dma_start3A_158 : memref<2x128xi32, #tpu.memory_space<hbm>>) target(%dma_start3A_154 : memref<2x128xi32, #tpu.memory_space<vmem>>) target_semaphore(%arg14 : memref<!tpu.dma_semaphore, #tpu.memory_space<semaphore_mem>>)
      } else {
      }
    }
    %scan3A_68 = arith.constant 20 : i32
    %barrier3A_69 = arith.constant 0 : index
    tpu.barrier barrier_id(%barrier3A_69)
    %mul3A_70 = arith.constant 640 : i32
    %mul3A_71 = arith.muli %arg1, %mul3A_70 : i32
    %eq3A = arith.constant 0 : i32
    %eq3A_72 = arith.cmpi eq, %arg0, %eq3A : i32
    %convert_element_type3A = arith.extui %eq3A_72 : i1 to i32
    %cond3A = arith.constant 0 : i32
    %cond3A_73 = arith.cmpi ne, %convert_element_type3A, %cond3A : i32
    scf.if %cond3A_73 {
      "tpu.region"() ({
        %run_scoped3A = tpu.sem_alloc : memref<!tpu.dma_semaphore, #tpu.memory_space<semaphore_mem>>
        %dma_start3A_79 = arith.constant 0 : i32
        %dma_start3A_80 = tpu.memref_slice %arg5[%mul3A_71, %dma_start3A_79] : memref<10240x128xf32, #tpu.memory_space<hbm>> -> memref<640x128xf32, #tpu.memory_space<hbm>>
        %dma_start3A_81 = arith.constant 0 : i32
        %dma_start3A_82 = tpu.memref_slice %arg10[%mul3A_71, %dma_start3A_81] : memref<10240x128xf32, #tpu.memory_space<vmem_shared>> -> memref<640x128xf32, #tpu.memory_space<vmem_shared>>
        tpu.enqueue_dma source(%dma_start3A_82 : memref<640x128xf32, #tpu.memory_space<vmem_shared>>) target(%dma_start3A_80 : memref<640x128xf32, #tpu.memory_space<hbm>>) target_semaphore(%run_scoped3A : memref<!tpu.dma_semaphore, #tpu.memory_space<semaphore_mem>>)
        %dma_wait3A_83 = arith.constant 0 : i32
        %dma_wait3A_84 = tpu.memref_slice %arg5[%mul3A_71, %dma_wait3A_83] : memref<10240x128xf32, #tpu.memory_space<hbm>> -> memref<640x128xf32, #tpu.memory_space<hbm>>
        %dma_wait3A_85 = arith.constant 0 : i32
        %dma_wait3A_86 = tpu.memref_slice %arg10[%mul3A_71, %dma_wait3A_85] : memref<10240x128xf32, #tpu.memory_space<vmem_shared>> -> memref<640x128xf32, #tpu.memory_space<vmem_shared>>
        tpu.wait_dma2 semaphore(%run_scoped3A : memref<!tpu.dma_semaphore, #tpu.memory_space<semaphore_mem>>) src(%dma_wait3A_86 : memref<640x128xf32, #tpu.memory_space<vmem_shared>>) dst(%dma_wait3A_84 : memref<640x128xf32, #tpu.memory_space<hbm>>)
        tpu.yield
      }) : () -> ()
    } else {
    }
    %eq3A_74 = arith.constant 1 : i32
    %eq3A_75 = arith.cmpi eq, %arg0, %eq3A_74 : i32
    %convert_element_type3A_76 = arith.extui %eq3A_75 : i1 to i32
    %cond3A_77 = arith.constant 0 : i32
    %cond3A_78 = arith.cmpi ne, %convert_element_type3A_76, %cond3A_77 : i32
    scf.if %cond3A_78 {
      "tpu.region"() ({
        %run_scoped3A = tpu.sem_alloc : memref<!tpu.dma_semaphore, #tpu.memory_space<semaphore_mem>>
        %dma_start3A_79 = arith.constant 0 : i32
        %dma_start3A_80 = tpu.memref_slice %arg6[%mul3A_71, %dma_start3A_79] : memref<10240x128xf32, #tpu.memory_space<hbm>> -> memref<640x128xf32, #tpu.memory_space<hbm>>
        %dma_start3A_81 = arith.constant 0 : i32
        %dma_start3A_82 = tpu.memref_slice %arg10[%mul3A_71, %dma_start3A_81] : memref<10240x128xf32, #tpu.memory_space<vmem_shared>> -> memref<640x128xf32, #tpu.memory_space<vmem_shared>>
        tpu.enqueue_dma source(%dma_start3A_82 : memref<640x128xf32, #tpu.memory_space<vmem_shared>>) target(%dma_start3A_80 : memref<640x128xf32, #tpu.memory_space<hbm>>) target_semaphore(%run_scoped3A : memref<!tpu.dma_semaphore, #tpu.memory_space<semaphore_mem>>)
        %dma_wait3A_83 = arith.constant 0 : i32
        %dma_wait3A_84 = tpu.memref_slice %arg6[%mul3A_71, %dma_wait3A_83] : memref<10240x128xf32, #tpu.memory_space<hbm>> -> memref<640x128xf32, #tpu.memory_space<hbm>>
        %dma_wait3A_85 = arith.constant 0 : i32
        %dma_wait3A_86 = tpu.memref_slice %arg10[%mul3A_71, %dma_wait3A_85] : memref<10240x128xf32, #tpu.memory_space<vmem_shared>> -> memref<640x128xf32, #tpu.memory_space<vmem_shared>>
        tpu.wait_dma2 semaphore(%run_scoped3A : memref<!tpu.dma_semaphore, #tpu.memory_space<semaphore_mem>>) src(%dma_wait3A_86 : memref<640x128xf32, #tpu.memory_space<vmem_shared>>) dst(%dma_wait3A_84 : memref<640x128xf32, #tpu.memory_space<hbm>>)
        tpu.yield
      }) : () -> ()
    } else {
    }
    return
  }
}

module attributes {stable_mosaic.version = 14 : i64} {
  func.func @_tc1_body(%arg0: i32, %arg1: memref<1000x256xf32, #tpu.memory_space<vmem>>, %arg2: memref<1000x16xf32, #tpu.memory_space<vmem>>, %arg3: memref<1000x16xf32, #tpu.memory_space<vmem>>, %arg4: memref<256x256xf32, #tpu.memory_space<vmem>>, %arg5: memref<1000x256xf32, #tpu.memory_space<vmem>>) attributes {dimension_semantics = [#tpu.dimension_semantics<arbitrary>], iteration_bounds = array<i64: 10>, scalar_prefetch = 0 : i64, scratch_operands = 0 : i64, tpu.core_type = #tpu.core_type<tc>, window_params = [{transform_indices = @transform_0, window_bounds = array<i64: 1000, 256>}, {transform_indices = @transform_1, window_bounds = array<i64: 1000, 16>}, {transform_indices = @transform_2, window_bounds = array<i64: 1000, 16>}, {pipeline_mode = #tpu.pipeline_mode<synchronous>, transform_indices = @transform_3, window_bounds = array<i64: 256, 256>}, {transform_indices = @transform_4, window_bounds = array<i64: 1000, 256>}]} {
    %get3A = arith.constant 0 : index
    %get3A_0 = arith.constant 0 : index
    %get3A_1 = vector.load %arg2[%get3A, %get3A_0] : memref<1000x16xf32, #tpu.memory_space<vmem>>, vector<1000x1xf32>
    %get3A_2 = arith.constant 0 : index
    %get3A_3 = arith.constant 0 : index
    %get3A_4 = vector.load %arg3[%get3A_2, %get3A_3] : memref<1000x16xf32, #tpu.memory_space<vmem>>, vector<1000x1xf32>
    %add3A = arith.addf %get3A_1, %get3A_4 : vector<1000x1xf32>
    %add3A_5 = arith.constant 1.000000e+00 : f32
    %add3A_6 = vector.broadcast %add3A_5 : f32 to vector<1000x1xf32>
    %add3A_7 = arith.addf %add3A, %add3A_6 : vector<1000x1xf32>
    %rsqrt3A = math.rsqrt %add3A_7 : vector<1000x1xf32>
    %get3A_8 = arith.constant 0 : index
    %get3A_9 = arith.constant 0 : index
    %get3A_10 = vector.load %arg1[%get3A_8, %get3A_9] : memref<1000x256xf32, #tpu.memory_space<vmem>>, vector<1000x256xf32>
    %get3A_11 = arith.constant 0 : index
    %get3A_12 = arith.constant 0 : index
    %get3A_13 = vector.load %arg4[%get3A_11, %get3A_12] : memref<256x256xf32, #tpu.memory_space<vmem>>, vector<256x256xf32>
    %dot_general3A = arith.constant dense<0.000000e+00> : vector<1000x256xf32>
    %dot_general3A_14 = tpu.matmul %get3A_10, %get3A_13, %dot_general3A {dimension_numbers = #tpu.dot_dimension_numbers<[1], [0], [0], [1], [0, 0, 1, 1], [], []>, transpose_lhs_hint = false} : vector<1000x256xf32>, vector<256x256xf32>, vector<1000x256xf32> -> vector<1000x256xf32>
    %mul3A = vector.broadcast %rsqrt3A : vector<1000x1xf32> to vector<1000x256xf32>
    %mul3A_15 = arith.mulf %mul3A, %dot_general3A_14 : vector<1000x256xf32>
    %swap3A = arith.constant 0 : index
    %swap3A_16 = arith.constant 0 : index
    %swap3A_17 = vector.load %arg5[%swap3A, %swap3A_16] : memref<1000x256xf32, #tpu.memory_space<vmem>>, vector<1000x256xf32>
    tpu.vector_store %arg5[%swap3A, %swap3A_16], %mul3A_15 {strides = array<i32>} : memref<1000x256xf32, #tpu.memory_space<vmem>>, vector<1000x256xf32>,
    return
  }
  func.func @transform_0(%arg0: i32) -> (i32, i32) {
    %c0_i32 = arith.constant 0 : i32
    %c0_i32_0 = arith.constant 0 : i32
    return %arg0, %c0_i32 : i32, i32
  }
  func.func @transform_1(%arg0: i32) -> (i32, i32) {
    %c0_i32 = arith.constant 0 : i32
    %c0_i32_0 = arith.constant 0 : i32
    return %arg0, %c0_i32 : i32, i32
  }
  func.func @transform_2(%arg0: i32) -> (i32, i32) {
    %c0_i32 = arith.constant 0 : i32
    %c0_i32_0 = arith.constant 0 : i32
    return %arg0, %c0_i32 : i32, i32
  }
  func.func @transform_3(%arg0: i32) -> (i32, i32) {
    %c0_i32 = arith.constant 0 : i32
    %c0_i32_0 = arith.constant 0 : i32
    %c0_i32_1 = arith.constant 0 : i32
    return %c0_i32, %c0_i32_0 : i32, i32
  }
  func.func @transform_4(%arg0: i32) -> (i32, i32) {
    %c0_i32 = arith.constant 0 : i32
    %c0_i32_0 = arith.constant 0 : i32
    return %arg0, %c0_i32 : i32, i32
  }
}

module attributes {stable_mosaic.version = 14 : i64} {
  func.func @_tc2_body(%arg0: i32, %arg1: memref<1000x128xf32, #tpu.memory_space<vmem>>, %arg2: memref<1000x128xf32, #tpu.memory_space<vmem>>, %arg3: memref<1000x256xf32, #tpu.memory_space<vmem>>, %arg4: memref<1000x16xf32, #tpu.memory_space<vmem>>, %arg5: memref<1000x16xf32, #tpu.memory_space<vmem>>, %arg6: memref<256x128xf32, #tpu.memory_space<vmem>>, %arg7: memref<1x256xf32, #tpu.memory_space<vmem>>, %arg8: memref<1000x128xf32, #tpu.memory_space<vmem>>) attributes {dimension_semantics = [#tpu.dimension_semantics<arbitrary>], iteration_bounds = array<i64: 10>, scalar_prefetch = 0 : i64, scratch_operands = 0 : i64, tpu.core_type = #tpu.core_type<tc>, window_params = [{transform_indices = @transform_0, window_bounds = array<i64: 1000, 128>}, {transform_indices = @transform_1, window_bounds = array<i64: 1000, 128>}, {transform_indices = @transform_2, window_bounds = array<i64: 1000, 256>}, {transform_indices = @transform_3, window_bounds = array<i64: 1000, 16>}, {transform_indices = @transform_4, window_bounds = array<i64: 1000, 16>}, {pipeline_mode = #tpu.pipeline_mode<synchronous>, transform_indices = @transform_5, window_bounds = array<i64: 256, 128>}, {pipeline_mode = #tpu.pipeline_mode<synchronous>, transform_indices = @transform_6, window_bounds = array<i64: 1, 256>}, {transform_indices = @transform_7, window_bounds = array<i64: 1000, 128>}]} {
    %get3A = arith.constant 0 : index
    %get3A_0 = arith.constant 0 : index
    %get3A_1 = vector.load %arg4[%get3A, %get3A_0] : memref<1000x16xf32, #tpu.memory_space<vmem>>, vector<1000x1xf32>
    %get3A_2 = arith.constant 0 : index
    %get3A_3 = arith.constant 0 : index
    %get3A_4 = vector.load %arg5[%get3A_2, %get3A_3] : memref<1000x16xf32, #tpu.memory_space<vmem>>, vector<1000x1xf32>
    %add3A = arith.addf %get3A_1, %get3A_4 : vector<1000x1xf32>
    %add3A_5 = arith.constant 1.000000e+00 : f32
    %add3A_6 = vector.broadcast %add3A_5 : f32 to vector<1000x1xf32>
    %add3A_7 = arith.addf %add3A, %add3A_6 : vector<1000x1xf32>
    %rsqrt3A = math.rsqrt %add3A_7 : vector<1000x1xf32>
    %get3A_8 = arith.constant 0 : index
    %get3A_9 = arith.constant 0 : index
    %get3A_10 = vector.load %arg1[%get3A_8, %get3A_9] : memref<1000x128xf32, #tpu.memory_space<vmem>>, vector<1000x128xf32>
    %get3A_11 = arith.constant 0 : index
    %get3A_12 = arith.constant 0 : index
    %get3A_13 = vector.load %arg2[%get3A_11, %get3A_12] : memref<1000x128xf32, #tpu.memory_space<vmem>>, vector<1000x128xf32>
    %concatenate3A = tpu.concatenate %get3A_10, %get3A_13 in 1 : vector<1000x128xf32>, vector<1000x128xf32> -> vector<1000x256xf32>
    %get3A_14 = arith.constant 0 : index
    %get3A_15 = arith.constant 0 : index
    %get3A_16 = vector.load %arg3[%get3A_14, %get3A_15] : memref<1000x256xf32, #tpu.memory_space<vmem>>, vector<1000x256xf32>
    %add3A_17 = arith.addf %concatenate3A, %get3A_16 : vector<1000x256xf32>
    %mul3A = vector.broadcast %rsqrt3A : vector<1000x1xf32> to vector<1000x256xf32>
    %mul3A_18 = arith.mulf %mul3A, %add3A_17 : vector<1000x256xf32>
    %get3A_19 = arith.constant 0 : index
    %get3A_20 = arith.constant 0 : index
    %get3A_21 = vector.load %arg7[%get3A_19, %get3A_20] : memref<1x256xf32, #tpu.memory_space<vmem>>, vector<1x256xf32>
    %add3A_22 = vector.broadcast %get3A_21 : vector<1x256xf32> to vector<1000x256xf32>
    %add3A_23 = arith.addf %mul3A_18, %add3A_22 : vector<1000x256xf32>
    %max3A = arith.constant 0.000000e+00 : f32
    %max3A_24 = vector.broadcast %max3A : f32 to vector<1000x256xf32>
    %max3A_25 = arith.maximumf %add3A_23, %max3A_24 : vector<1000x256xf32>
    %get3A_26 = arith.constant 0 : index
    %get3A_27 = arith.constant 0 : index
    %get3A_28 = vector.load %arg6[%get3A_26, %get3A_27] : memref<256x128xf32, #tpu.memory_space<vmem>>, vector<256x128xf32>
    %dot_general3A = arith.constant dense<0.000000e+00> : vector<1000x128xf32>
    %dot_general3A_29 = tpu.matmul %max3A_25, %get3A_28, %dot_general3A {dimension_numbers = #tpu.dot_dimension_numbers<[1], [0], [0], [1], [0, 0, 1, 1], [], []>, transpose_lhs_hint = false} : vector<1000x256xf32>, vector<256x128xf32>, vector<1000x128xf32> -> vector<1000x128xf32>
    %mul3A_30 = vector.broadcast %rsqrt3A : vector<1000x1xf32> to vector<1000x128xf32>
    %mul3A_31 = arith.mulf %mul3A_30, %dot_general3A_29 : vector<1000x128xf32>
    %swap3A = arith.constant 0 : index
    %swap3A_32 = arith.constant 0 : index
    %swap3A_33 = vector.load %arg8[%swap3A, %swap3A_32] : memref<1000x128xf32, #tpu.memory_space<vmem>>, vector<1000x128xf32>
    tpu.vector_store %arg8[%swap3A, %swap3A_32], %mul3A_31 {strides = array<i32>} : memref<1000x128xf32, #tpu.memory_space<vmem>>, vector<1000x128xf32>,
    return
  }
  func.func @transform_0(%arg0: i32) -> (i32, i32) {
    %c0_i32 = arith.constant 0 : i32
    %c0_i32_0 = arith.constant 0 : i32
    return %arg0, %c0_i32 : i32, i32
  }
  func.func @transform_1(%arg0: i32) -> (i32, i32) {
    %c0_i32 = arith.constant 0 : i32
    %c0_i32_0 = arith.constant 0 : i32
    return %arg0, %c0_i32 : i32, i32
  }
  func.func @transform_2(%arg0: i32) -> (i32, i32) {
    %c0_i32 = arith.constant 0 : i32
    %c0_i32_0 = arith.constant 0 : i32
    return %arg0, %c0_i32 : i32, i32
  }
  func.func @transform_3(%arg0: i32) -> (i32, i32) {
    %c0_i32 = arith.constant 0 : i32
    %c0_i32_0 = arith.constant 0 : i32
    return %arg0, %c0_i32 : i32, i32
  }
  func.func @transform_4(%arg0: i32) -> (i32, i32) {
    %c0_i32 = arith.constant 0 : i32
    %c0_i32_0 = arith.constant 0 : i32
    return %arg0, %c0_i32 : i32, i32
  }
  func.func @transform_5(%arg0: i32) -> (i32, i32) {
    %c0_i32 = arith.constant 0 : i32
    %c0_i32_0 = arith.constant 0 : i32
    %c0_i32_1 = arith.constant 0 : i32
    return %c0_i32, %c0_i32_0 : i32, i32
  }
  func.func @transform_6(%arg0: i32) -> (i32, i32) {
    %c0_i32 = arith.constant 0 : i32
    %c0_i32_0 = arith.constant 0 : i32
    %c0_i32_1 = arith.constant 0 : i32
    return %c0_i32, %c0_i32_0 : i32, i32
  }
  func.func @transform_7(%arg0: i32) -> (i32, i32) {
    %c0_i32 = arith.constant 0 : i32
    %c0_i32_0 = arith.constant 0 : i32
    return %arg0, %c0_i32 : i32, i32
  }
}

module attributes {stable_mosaic.version = 14 : i64} {
  func.func @_tc3_body(%arg0: i32, %arg1: memref<1000x128xf32, #tpu.memory_space<vmem>>, %arg2: memref<1000x128xf32, #tpu.memory_space<vmem>>, %arg3: memref<1000x128xf32, #tpu.memory_space<vmem>>, %arg4: memref<1000x16xf32, #tpu.memory_space<vmem>>, %arg5: memref<1000x16xf32, #tpu.memory_space<vmem>>, %arg6: memref<1x128xf32, #tpu.memory_space<vmem>>, %arg7: memref<1000x40xf32, #tpu.memory_space<vmem>>) attributes {dimension_semantics = [#tpu.dimension_semantics<arbitrary>], iteration_bounds = array<i64: 10>, scalar_prefetch = 0 : i64, scratch_operands = 0 : i64, tpu.core_type = #tpu.core_type<tc>, window_params = [{transform_indices = @transform_0, window_bounds = array<i64: 1000, 128>}, {transform_indices = @transform_1, window_bounds = array<i64: 1000, 128>}, {transform_indices = @transform_2, window_bounds = array<i64: 1000, 128>}, {transform_indices = @transform_3, window_bounds = array<i64: 1000, 16>}, {transform_indices = @transform_4, window_bounds = array<i64: 1000, 16>}, {pipeline_mode = #tpu.pipeline_mode<synchronous>, transform_indices = @transform_5, window_bounds = array<i64: 1, 128>}, {transform_indices = @transform_6, window_bounds = array<i64: 1000, 40>}]} {
    %get3A = arith.constant 0 : index
    %get3A_0 = arith.constant 0 : index
    %get3A_1 = vector.load %arg4[%get3A, %get3A_0] : memref<1000x16xf32, #tpu.memory_space<vmem>>, vector<1000x1xf32>
    %get3A_2 = arith.constant 0 : index
    %get3A_3 = arith.constant 0 : index
    %get3A_4 = vector.load %arg5[%get3A_2, %get3A_3] : memref<1000x16xf32, #tpu.memory_space<vmem>>, vector<1000x1xf32>
    %add3A = arith.addf %get3A_1, %get3A_4 : vector<1000x1xf32>
    %add3A_5 = arith.constant 1.000000e+00 : f32
    %add3A_6 = vector.broadcast %add3A_5 : f32 to vector<1000x1xf32>
    %add3A_7 = arith.addf %add3A, %add3A_6 : vector<1000x1xf32>
    %rsqrt3A = math.rsqrt %add3A_7 : vector<1000x1xf32>
    %get3A_8 = arith.constant 0 : index
    %get3A_9 = arith.constant 0 : index
    %get3A_10 = vector.load %arg1[%get3A_8, %get3A_9] : memref<1000x128xf32, #tpu.memory_space<vmem>>, vector<1000x128xf32>
    %get3A_11 = arith.constant 0 : index
    %get3A_12 = arith.constant 0 : index
    %get3A_13 = vector.load %arg2[%get3A_11, %get3A_12] : memref<1000x128xf32, #tpu.memory_space<vmem>>, vector<1000x128xf32>
    %add3A_14 = arith.addf %get3A_10, %get3A_13 : vector<1000x128xf32>
    %get3A_15 = arith.constant 0 : index
    %get3A_16 = arith.constant 0 : index
    %get3A_17 = vector.load %arg3[%get3A_15, %get3A_16] : memref<1000x128xf32, #tpu.memory_space<vmem>>, vector<1000x128xf32>
    %add3A_18 = arith.addf %add3A_14, %get3A_17 : vector<1000x128xf32>
    %mul3A = vector.broadcast %rsqrt3A : vector<1000x1xf32> to vector<1000x128xf32>
    %mul3A_19 = arith.mulf %mul3A, %add3A_18 : vector<1000x128xf32>
    %get3A_20 = arith.constant 0 : index
    %get3A_21 = arith.constant 0 : index
    %get3A_22 = vector.load %arg6[%get3A_20, %get3A_21] : memref<1x128xf32, #tpu.memory_space<vmem>>, vector<1x128xf32>
    %add3A_23 = vector.broadcast %get3A_22 : vector<1x128xf32> to vector<1000x128xf32>
    %add3A_24 = arith.addf %mul3A_19, %add3A_23 : vector<1000x128xf32>
    %slice3A = vector.extract_strided_slice %add3A_24 {offsets = [0, 0], sizes = [1000, 40], strides = [1, 1]} : vector<1000x128xf32> to vector<1000x40xf32>
    %reduce_max3A = arith.constant dense<0xFF800000> : vector<1000xf32>
    %reduce_max3A_25 = vector.multi_reduction <maximumf>, %slice3A, %reduce_max3A [1] : vector<1000x40xf32> to vector<1000xf32>
    %broadcast_in_dim3A = vector.shape_cast %reduce_max3A_25 : vector<1000xf32> to vector<1000x1xf32>
    %sub3A = vector.broadcast %broadcast_in_dim3A : vector<1000x1xf32> to vector<1000x40xf32>
    %sub3A_26 = arith.subf %slice3A, %sub3A : vector<1000x40xf32>
    %exp3A = math.exp %sub3A_26 : vector<1000x40xf32>
    %reduce_sum3A = arith.constant dense<0.000000e+00> : vector<1000xf32>
    %reduce_sum3A_27 = vector.multi_reduction <add>, %exp3A, %reduce_sum3A [1] : vector<1000x40xf32> to vector<1000xf32>
    %broadcast_in_dim3A_28 = vector.shape_cast %reduce_sum3A_27 : vector<1000xf32> to vector<1000x1xf32>
    %log3A = math.log %broadcast_in_dim3A_28 : vector<1000x1xf32>
    %sub3A_29 = vector.broadcast %broadcast_in_dim3A : vector<1000x1xf32> to vector<1000x40xf32>
    %sub3A_30 = arith.subf %slice3A, %sub3A_29 : vector<1000x40xf32>
    %sub3A_31 = vector.broadcast %log3A : vector<1000x1xf32> to vector<1000x40xf32>
    %sub3A_32 = arith.subf %sub3A_30, %sub3A_31 : vector<1000x40xf32>
    %swap3A = arith.constant 0 : index
    %swap3A_33 = arith.constant 0 : index
    %swap3A_34 = vector.load %arg7[%swap3A, %swap3A_33] : memref<1000x40xf32, #tpu.memory_space<vmem>>, vector<1000x40xf32>
    tpu.vector_store %arg7[%swap3A, %swap3A_33], %sub3A_32 {strides = array<i32>} : memref<1000x40xf32, #tpu.memory_space<vmem>>, vector<1000x40xf32>,
    return
  }
  func.func @transform_0(%arg0: i32) -> (i32, i32) {
    %c0_i32 = arith.constant 0 : i32
    %c0_i32_0 = arith.constant 0 : i32
    return %arg0, %c0_i32 : i32, i32
  }
  func.func @transform_1(%arg0: i32) -> (i32, i32) {
    %c0_i32 = arith.constant 0 : i32
    %c0_i32_0 = arith.constant 0 : i32
    return %arg0, %c0_i32 : i32, i32
  }
  func.func @transform_2(%arg0: i32) -> (i32, i32) {
    %c0_i32 = arith.constant 0 : i32
    %c0_i32_0 = arith.constant 0 : i32
    return %arg0, %c0_i32 : i32, i32
  }
  func.func @transform_3(%arg0: i32) -> (i32, i32) {
    %c0_i32 = arith.constant 0 : i32
    %c0_i32_0 = arith.constant 0 : i32
    return %arg0, %c0_i32 : i32, i32
  }
  func.func @transform_4(%arg0: i32) -> (i32, i32) {
    %c0_i32 = arith.constant 0 : i32
    %c0_i32_0 = arith.constant 0 : i32
    return %arg0, %c0_i32 : i32, i32
  }
  func.func @transform_5(%arg0: i32) -> (i32, i32) {
    %c0_i32 = arith.constant 0 : i32
    %c0_i32_0 = arith.constant 0 : i32
    %c0_i32_1 = arith.constant 0 : i32
    return %c0_i32, %c0_i32_0 : i32, i32
  }
  func.func @transform_6(%arg0: i32) -> (i32, i32) {
    %c0_i32 = arith.constant 0 : i32
    %c0_i32_0 = arith.constant 0 : i32
    return %arg0, %c0_i32 : i32, i32
  }
}

</mosaic_0001>

<sc_bundles>
// kernel: kernel.11.cloned.1.call-start
scs
__scs_entry_jumppad:
0x0: {  	(pc) =	sbr.rel $0x88, $3  }
0x1: {  	(tag) =	ssettag $0x0;
	lr =	simm.s32 $0x1  }
0x2: {  	[smem:$0x3F9B] =	sst lr;
	_ =	strace $0xD0000000  }
0x3: {  	_ = 	snop  }
0x4: {  	_ = 	snop  }
0x5: {  	_ = 	snop  }
0x6: {  	_ = 	snop  }
0x7: {  	_ = 	snop  }
__scs_overlays_trampoline_lowered:
0x8: {  	[smem:$0x3FAA] =	sst s0  }
0x9: {  	[smem:$0x3FAB] =	sst s1  }
0xa: {  	[smem:$0x3FAC] =	sst s2  }
0xb: {  	[smem:$0x3FAD] =	sst s3  }
0xc: {  	[smem:$0x3FAE] =	sst s4  }
0xd: {  	[smem:$0x3FAF] =	sst s5  }
0xe: {  	[smem:$0x3FB0] =	sst s6  }
0xf: {  	[smem:$0x3FB1] =	sst s7  }
0x10: {  	[smem:$0x3FB2] =	sst s8  }
0x11: {  	[smem:$0x3FB3] =	sst s9;
	s0 =	simm.s32 @!p0 $0x0  }
0x12: {  	s1 =	sld [smem:$0x3F99];
	s0 =	simm.s32 @p0 $0x1  }
0x13: {  	[smem:$0x3FB4] =	sst s0;
	s0 =	simm.s32 @!p1 $0x0  }
0x14: {  	s2 =	sld [smem:$0x3F98];
	s0 =	simm.s32 @p1 $0x1  }
0x15: {  	[smem:$0x3FB5] =	sst s0;
	s0 =	simm.s32 @!p2 $0x0  }
0x16: {  	s3 =	sld [smem:$0x3FDB];
	s0 =	simm.s32 @p2 $0x1  }
0x17: {  	s4 =	simm.s32 $0x1BF5;
	[smem:$0x3FB7] =	sst s0  }
0x18: {  	s0 =	sld [smem:$0x3F9A];
	_ =	swait.ge [sflag:s4], $0x0  }
0x19: {  	s7 =	sld [smem:$0x3F9B]  }
0x1a: {  	s8 =	sadd.s32 $0xFFFFE003, lr  }
0x1b: {  	s9 =	sadd.s32 $0xFFFFFEF7, lr;
	s5 =	simm.s32 $0xFFFFFFFF;
	p2 =	slt.u32 s8, $0xFFFFF086  }
0x1c: {  	p1 =	slt.u32 s9, $0xF7A;
	s5 =	simm.s32 @!p2 $0x0  }
0x1d: {  	s5 =	simm.s32 @p1 $0x1;
	p0 =	seq.s32 s7, s2  }
0x1e: {  	s7 =	smul.u32 @!p0 $0xF7A, s2;
	p2 =	seq.s32 @!p0 s5, $0x0  }
0x1f: {  	s9 =	smul.u32 $0xF7A, s1;
	s8 =	simm.s32 @!p0 $0x1BF5;
	p2 =	por !p2, p0  }
0x20: {  	[sflag:s8] =	ssyncset.s32 @!p0 $0xFFFFF086;
	s6 =	sadd.s32 @!p0 s3, s7;
	s7 =	simm.s32 @!p0 $0x108  }
0x21: {  	s3 =	sadd.s32 s3, s9;
	s6 =	sadd.s32 @!p0 $0x88, s6;
	s7 =	simm.s32 @p2 $0x1082  }
0x22: {  	[simem:s7], [sflag:s8] =	dma.local @!p0 [hbm:s6], $0xF7A  }
0x23: {  	s9 =	sor.u32 $0xD0000000, s2;
	s6 =	simm.s32 $0x108;
	_ =	swait.ge @!p0 [sflag:s8], $0x0  }
0x24: {  	s3 =	sadd.s32 $0x88, s3;
	s6 =	simm.s32 @!p1 $0x1082;
	[sflag:s4] =	ssyncset.s32 $0xFFFFF086  }
0x25: {  	[simem:s6], [sflag:s4] =	dma.local [hbm:s3], $0xF7A  }
0x26: {  	[smem:$0x3F9B] =	sst s1;
	(tag) =	ssettag s2;
	_ =	strace s9  }
0x27: {  	s1 =	sld [smem:$0x3FAB]  }
0x28: {  	s2 =	sld [smem:$0x3FAC]  }
0x29: {  	s4 =	sld [smem:$0x3FAE]  }
0x2a: {  	p0 =	seq.s32 s5, $0x0;
	s5 =	sld [smem:$0x3FAF]  }
0x2b: {  	s6 =	sld [smem:$0x3FB0]  }
0x2c: {  	s7 =	sld [smem:$0x3FB1]  }
0x2d: {  	s3 =	simm.s32 $0x108;
	s8 =	sld [smem:$0x3FB2]  }
0x2e: {  	s3 =	simm.s32 @!p0 $0x1082;
	s9 =	sld [smem:$0x3FB3]  }
0x2f: {  	lr =	sadd.s32 s0, s3;
	s0 =	sld [smem:$0x3FAA]  }
0x30: {  	s3 =	sld [smem:$0x3FAD]  }
0x31: {  	[smem:$0x3FB6] =	sst s10  }
0x32: {  	s10 =	sld [smem:$0x3FB4];
	_ =	sdelay $0x3  }
0x33: {  	p0 =	seq.s32 s10, $0x1;
	s10 =	sld [smem:$0x3FB6];
	_ =	sdelay $0x3  }
0x34: {  	[smem:$0x3FB6] =	sst s10  }
0x35: {  	s10 =	sld [smem:$0x3FB5];
	_ =	sdelay $0x3  }
0x36: {  	p1 =	seq.s32 s10, $0x1;
	s10 =	sld [smem:$0x3FB6];
	_ =	sdelay $0x3  }
0x37: {  	[smem:$0x3FB6] =	sst s10  }
0x38: {  	s10 =	sld [smem:$0x3FB7]  }
0x39: {  	_ = 	snop;
	(pc) =	sbr.ind lr, $3  }
0x3a: {  	_ = 	snop  }
0x3b: {  	_ = 	snop  }
0x3c: {  	p2 =	seq.s32 s10, $0x1;
	s10 =	sld [smem:$0x3FB6]  }
0x3d: {  	_ =	shalt  }
0x3e: {  	_ =	shalt  }
0x3f: {  	_ =	shalt  }
0x40: {  	_ =	shalt  }
0x41: {  	_ =	shalt  }
0x42: {  	_ =	shalt  }
0x43: {  	_ =	shalt  }
0x44: {  	_ =	shalt  }
0x45: {  	_ =	shalt  }
0x46: {  	_ =	shalt  }
0x47: {  	_ =	shalt  }
0x48: {  	_ =	shalt  }
0x49: {  	_ =	shalt  }
0x4a: {  	_ =	shalt  }
0x4b: {  	_ =	shalt  }
0x4c: {  	_ =	shalt  }
0x4d: {  	_ =	shalt  }
0x4e: {  	_ =	shalt  }
0x4f: {  	_ =	shalt  }
0x50: {  	_ =	shalt  }
0x51: {  	_ =	shalt  }
0x52: {  	_ =	shalt  }
0x53: {  	_ =	shalt  }
0x54: {  	_ =	shalt  }
0x55: {  	_ =	shalt  }
0x56: {  	_ =	shalt  }
0x57: {  	_ =	shalt  }
0x58: {  	_ =	shalt  }
0x59: {  	_ =	shalt  }
0x5a: {  	_ =	shalt  }
0x5b: {  	_ =	shalt  }
0x5c: {  	_ =	shalt  }
0x5d: {  	_ =	shalt  }
0x5e: {  	_ =	shalt  }
0x5f: {  	_ =	shalt  }
0x60: {  	_ =	shalt  }
0x61: {  	_ =	shalt  }
0x62: {  	_ =	shalt  }
0x63: {  	_ =	shalt  }
0x64: {  	_ =	shalt  }
0x65: {  	_ =	shalt  }
0x66: {  	_ =	shalt  }
0x67: {  	_ =	shalt  }
0x68: {  	_ =	shalt  }
0x69: {  	_ =	shalt  }
0x6a: {  	_ =	shalt  }
0x6b: {  	_ =	shalt  }
0x6c: {  	_ =	shalt  }
0x6d: {  	_ =	shalt  }
0x6e: {  	_ =	shalt  }
0x6f: {  	_ =	shalt  }
0x70: {  	_ =	shalt  }
0x71: {  	_ =	shalt  }
0x72: {  	_ =	shalt  }
0x73: {  	_ =	shalt  }
0x74: {  	_ =	shalt  }
0x75: {  	_ =	shalt  }
0x76: {  	_ =	shalt  }
0x77: {  	_ =	shalt  }
0x78: {  	_ =	shalt  }
0x79: {  	_ =	shalt  }
0x7a: {  	_ =	shalt  }
0x7b: {  	_ =	shalt  }
0x7c: {  	_ =	shalt  }
0x7d: {  	_ =	shalt  }
0x7e: {  	_ =	shalt  }
0x7f: {  	_ =	shalt  }
0x80: {  	_ =	shalt  }
0x81: {  	_ =	shalt  }
0x82: {  	_ =	shalt  }
0x83: {  	_ =	shalt  }
0x84: {  	_ =	shalt  }
0x85: {  	_ =	shalt  }
0x86: {  	_ =	shalt  }
0x87: {  	_ =	shalt  }
.Lfunc_end0:
.L_simem_size_0:
called_computation.1_lowered:
.L_overlay_start_0:
0x88: {  	s2 =	sld [smem:$0x3FD9]  }
0x89: {  	s3 =	sld [smem:$0x3FFE];
	_ =	sdelay $0x1  }
0x8a: {  	s1 =	srdreg.scid  }
0x8b: {  	s0 =	sand.u32 $0x1, s1  }
0x8c: {  	s16 =	sshll.u32 s0, $0xA;
	s2 =	sadd.s32 s3, s2  }
0x8d: {  	s2 =	sadd.s32 s2, s16  }
0x8e: {  	[smem:$0x3FC2] =	sst s2  }
0x8f: {  	_ = 	snop  }
0x90: {  	(tm) =	ssettm $0x1  }
0x91: {  	s17 =	sld [smem:$0x3FFB];
	_ =	sdelay $0x3  }
0x92: {  	_ =	strace s17  }
0x93: {  	s2 =	sld [smem:$0x3FFC];
	_ =	sdelay $0x3  }
0x94: {  	_ =	strace s2  }
0x95: {  	s2 =	sld [smem:$0x3FFD];
	_ =	sdelay $0x3  }
0x96: {  	_ =	strace s2  }
0x97: {  	_ =	strace $0x8FFFFFFF  }
0x98: {  	s18 =	sld [smem:$0x3FDB];
	_ =	sdelay $0x1  }
0x99: {  	s19 =	simm.s32 $_scs_section_size  }
0x9a: {  	s4 =	simm.s32 $_size__tile_overlayer_lowered;
	s5 =	simm.s32 $_tile_overlayer_lowered  }
0x9b: {  	s22 =	simm.s32 $0x1BFF;
	s21 =	sshll.u32 s5, $0x1;
	s2 =	sadd.s32 s19, s18  }
0x9c: {  	s6 =	simm.s32 $0x0;
	s20 =	sshll.u32 s4, $0x1;
	s4 =	sadd.s32 s21, s2  }
0x9d: {  	[timem:s6], [sflag:s22] =	dma.local [hbm:s4], s20  }
0x9e: {  	_ =	swait.ge [sflag:s22], s20  }
0x9f: {  	s3 =	ssub.s32 $0x0, s20;
	[sflag:s22] =	ssyncset.done $0x0  }
0xa0: {  	[sflag:s22] =	ssyncadd.s32 s3;
	_ =	sdelay $0x1  }
0xa1: {  	s23 =	simm.s32 $0x1B8B  }
0xa2: {  	_ =	swait.ge [sflag:s23], $0x1  }
0xa3: {  	[sflag:s23] =	ssyncset.done $0x0  }
0xa4: {  	s25 =	simm.s32 $0x1B8E;
	s24 =	sld [smem:$0x3FFE];
	[sflag:s23] =	ssyncadd.s32 $0xFFFFFFFF  }
0xa5: {  	s26 =	simm.s32 $execute0_lowered;
	[smem:$0x3FD2] =	sst s25  }
0xa6: {  	s4 =	sshll.u32 s26, $0x1;
	_ =	strace $0x80000049;
	[dreg:$0x1] =	wrdreg $0xFFFFFFFF  }
0xa7: {  	s28 =	simm.s32 $_size_execute0_lowered;
	s2 =	sadd.s32 s2, s4;
	[dreg:$0x0] =	wrdreg $0x0  }
0xa8: {  	s4 =	sshll.u32 s28, $0x1;
	[dreg:$0x2] =	wrdreg s2  }
0xa9: {  	[dreg:$0x3] =	wrdreg s4  }
0xaa: {  	[dreg:$0x4] =	wrdreg $0xC0  }
0xab: {  	_ =	task [dreg:s6], $0x5FFFF  }
0xac: {  	[dreg:$0x1] =	wrdreg $0xFFFFFFFF  }
0xad: {  	[dreg:$0x0] =	wrdreg $0x60  }
0xae: {  	[dreg:$0x2] =	wrdreg s24  }
0xaf: {  	[dreg:$0x3] =	wrdreg $0x82000  }
0xb0: {  	[dreg:$0x4] =	wrdreg $0x9  }
0xb1: {  	_ =	task.clear_ibuf [dreg:s6], $0x5FFFF;
	_ =	strace $0x90000049  }
0xb2: {  	s29 =	simm.s32 $0x9;
	_ =	strace $0x8000004B  }
0xb3: {  	_ =	swait.ge [sflag:s29], $0x1  }
0xb4: {  	[sflag:s29] =	ssyncadd.s32 $0xFFFFFFFF  }
0xb5: {  	_ =	strace $0x9000004B  }
0xb6: {  	_ =	sfence  }
0xb7: {  	s30 =	sld [smem:$0x0];
	_ =	sdelay $0x2  }
0xb8: {  	s31 =	sshll.u32 s1, $0xD;
	s1 =	sshrl.u32 s1, $0x2  }
0xb9: {  	s3 =	sand.u32 $0x4000, s31;
	s1 =	sadd.s32 s1, s30  }
0xba: {  	s0 =	sor.u32 s3, s0;
	s1 =	sshll.u32 s1, $0x11  }
0xbb: {  	s0 =	sor.u32 s1, s0  }
0xbc: {  	s0 =	sadd.s32 $0x8F2B, s0  }
0xbd: {  	[sflag:s0] =	ssyncadd.remote.s32 $0x1  }
0xbe: {  	_ =	sfence.sel $0xFFFF  }
0xbf: {  	[dreg:$0x0] =	wrdreg $0xFFFFFFFF;
	(pc) =	sbr.abs _section_cstart, $3  }
0xc0: {  	[dreg:$0x1] =	wrdreg $0xFFFFFFFF  }
0xc1: {  	_ =	task.clear_ibuf [dreg:s6], $0x2FFFF;
	_ =	strace $0x9FFFFFFF  }
0xc2: {  	(tm) =	ssettm $0x7FFFFFFF  }
0xc3: {  	_ =	shalt  }
tec
execute0_lowered:
.L_overlay_start_1:
0x0: {  	(tag) =	ssettag $0x1  }
0x1: {  	s9 =	rddreg [dreg:$0x0]  }
0x2: {  	s1 =	rddreg [dreg:$0x1]  }
0x3: {  	s0 =	rddreg [dreg:$0x2]  }
0x4: {  	s2 =	simm.s32 $0x0;
	s3 =	srdreg.scid;
	s15 =	simm.s32 $0x136400  }
0x5: {  	s17 =	simm.s32 $0x200;
	s18 =	simm.s32 $0x4;
	s19 =	simm.s32 $0x4200  }
0x6: {  	s20 =	simm.s32 $0x1;
	s21 =	simm.s32 $0x2;
	s22 =	simm.s32 $0x180  }
0x7: {  	s23 =	simm.s32 $0x0;
	[smem:$0x7FF] =	sst s2;
	s4 =	sadd.s32 $0xC0200, s9  }
0x8: {  	s7 =	sand.u32 $0x1, s3;
	s10 =	sadd.s32 $0xE000, s9;
	s3 =	stileid.u32  }
0x9: {  	s5 =	sadd.s32 $0x3800, s9;
	_ =	strace $0x8000004A;
	s12 =	smul.u32 $0x50000, s3  }
0xa: {  	s6 =	ssub.s32 $0x2, s7;
	s11 =	sshll.u32 s7, $0x4;
	s30 =	smul.u32 $0x2800, s3  }
0xb: {  	s28 =	sshll.u32 s3, $0x6;
	p0 =	seq.s32 s7, $0x1;
	s16 =	smul.u32 $0xA000, s7  }
0xc: {  	s31 =	smul.u32 $0xA00, s3;
	s8 =	sshrl.u32 s6, $0x1;
	s25 =	sor.u32 s3, s11  }
0xd: {  	s15 =	simm.s32 @!p0 $0x10E400;
	s13 =	ssub.s32 s6, s8;
	s26 =	sshrl.u32 s12, $0x2  }
0xe: {  	s29 =	smul.u32 $0xA00, s25;
	s6 =	sor.u32 $0x1C05, s28;
	s15 =	sadd.s32 s15, s9  }
0xf: {  	s16 =	sadd.s32 s16, s10;
	s14 =	sadd.s32 s26, s1;
	s9 =	smax.u32 s13, $0x1  }
0x10: {  	s11 =	sadd.s32 s31, s16;
	s13 =	simm.s32 $0x5;
	s16 =	simm.s32 $0x80  }
0x11: {  	s7 =	sadd.s32 s10, s29;
	s10 =	sadd.s32 s15, s30;
	s12 =	sshrl.u32 s14, $0x3  }
0x12: {  	s14 =	simm.s32 $0x100;
	s15 =	simm.s32 $0x3;
	s8 =	sadd.s32 $0x20, s7  }
.LBB2_1:
0x13: {  	[spmem:s12], [sflag:s6] =	dma.local [hbm:s5], $0x2800  }
0x14: {  	_ =	swait.ge [sflag:s13], $0x2800  }
0x15: {  	[sflag:s13] =	ssyncset.done $0x0  }
0x16: {  	[sflag:s13] =	ssyncadd.s32 $0xFFFFD800  }
0x17: {  	[bflag:$0x0] =	sbarrier.arrive $0xFFFF  }
0x18: {  	[tilespmem:s2], [sflag:$0x3] =	stream.linear.gather [hbm4b:s7+s2], $0x100, $0x38;
	[tilespmem:$0x1C200] =	vst v63  }
0x19: {  	_ = 	snop  }
0x1a: {  	[tilespmem:s14], [sflag:$0x4] =	stream.linear.gather [hbm4b:s8+s2], $0x100, $0x38;
	[tilespmem:$0x1C200] =	vst v63  }
0x1b: {  	_ =	swait.ge [sflag:s15], $0x100  }
0x1c: {  	[sflag:s15] =	ssyncset.done $0x0  }
0x1d: {  	[sflag:s15] =	ssyncadd.s32 $0xFFFFFF00  }
0x1e: {  	[tilespmem:s17], [sflag:$0x1] =	stream.indirect.gather [hbm4b:s4+s16], $0x80, s2, s16, $0xb8;
	[tilespmem:$0x1C200] =	vst v63  }
0x1f: {  	_ =	swait.ge [sflag:s18], $0x100  }
0x20: {  	[sflag:s18] =	ssyncset.done $0x0  }
0x21: {  	[sflag:s18] =	ssyncadd.s32 $0xFFFFFF00  }
0x22: {  	[tilespmem:s19], [sflag:$0x2] =	stream.indirect.gather [hbm4b:s4+s16], $0x80, s14, s16, $0xb8;
	[tilespmem:$0x1C200] =	vst v63  }
0x23: {  	_ =	swait.ge [sflag:s20], $0x4000  }
0x24: {  	[sflag:s20] =	ssyncset.done $0x0  }
0x25: {  	[sflag:s20] =	ssyncadd.s32 $0xFFFFC000  }
0x26: {  	[spmem:s1] =	stream.indirect.scatter.add.f32 [tilespmem:s17], [sflag:$0x5], $0x80, s16, s16, $0xb8;
	[tilespmem:$0x1C200] =	vst v63  }
0x27: {  	_ =	swait.ge [sflag:s13], $0x4000  }
0x28: {  	s25 =	sadd.s32 $0xFFFFF640, s11;
	[sflag:s13] =	ssyncset.done $0x0  }
0x29: {  	s24 =	sadd.s32 $0xA00, s25;
	[sflag:s13] =	ssyncadd.s32 $0xFFFFC000  }
0x2a: {  	[tilespmem:s2], [sflag:$0x3] =	stream.linear.gather [hbm4b:s24+s2], $0x100, $0x38;
	[tilespmem:$0x1C200] =	vst v63  }
0x2b: {  	_ =	swait.ge [sflag:s15], $0x100  }
0x2c: {  	[sflag:s15] =	ssyncset.done $0x0  }
0x2d: {  	[sflag:s15] =	ssyncadd.s32 $0xFFFFFF00  }
0x2e: {  	[tilespmem:s17], [sflag:$0x1] =	stream.indirect.gather [hbm4b:s4+s16], $0x80, s2, s16, $0xb8;
	[tilespmem:$0x1C200] =	vst v63  }
0x2f: {  	_ =	swait.ge [sflag:s21], $0x4000  }
0x30: {  	[sflag:s21] =	ssyncset.done $0x0  }
0x31: {  	[sflag:s21] =	ssyncadd.s32 $0xFFFFC000  }
0x32: {  	[spmem:s1] =	stream.indirect.scatter.add.f32 [tilespmem:s19], [sflag:$0x5], $0x80, s22, s16, $0xb8;
	[tilespmem:$0x1C200] =	vst v63  }
0x33: {  	_ =	swait.ge [sflag:s13], $0x4000  }
0x34: {  	[sflag:s13] =	ssyncset.done $0x0  }
0x35: {  	s25 =	sadd.s32 $0xA20, s25;
	s24 =	simm.s32 $0xFFFFF680;
	[sflag:s13] =	ssyncadd.s32 $0xFFFFC000  }
.LBB2_2:
0x36: {  	[tilespmem:s14], [sflag:$0x4] =	stream.linear.gather [hbm4b:s25+s2], $0x100, $0x38;
	[tilespmem:$0x1C200] =	vst v63  }
0x37: {  	s25 =	smov.u32 s24  }
0x38: {  	p0 =	sne.s32 s24, $0xFFFFFFC0;
	s24 =	sadd.s32 $0x40, s24;
	_ =	swait.ge [sflag:s18], $0x100  }
0x39: {  	[sflag:s18] =	ssyncset.done $0x0  }
0x3a: {  	[sflag:s18] =	ssyncadd.s32 $0xFFFFFF00  }
0x3b: {  	[tilespmem:s19], [sflag:$0x2] =	stream.indirect.gather [hbm4b:s4+s16], $0x80, s14, s16, $0xb8;
	[tilespmem:$0x1C200] =	vst v63  }
0x3c: {  	_ =	swait.ge [sflag:s20], $0x4000  }
0x3d: {  	[sflag:s20] =	ssyncset.done $0x0  }
0x3e: {  	[sflag:s20] =	ssyncadd.s32 $0xFFFFC000  }
0x3f: {  	[spmem:s1] =	stream.indirect.scatter.add.f32 [tilespmem:s17], [sflag:$0x5], $0x80, s16, s16, $0xb8;
	[tilespmem:$0x1C200] =	vst v63  }
0x40: {  	_ =	swait.ge [sflag:s13], $0x4000  }
0x41: {  	s25 =	sadd.s32 s25, s11;
	[sflag:s13] =	ssyncset.done $0x0  }
0x42: {  	s26 =	sadd.s32 $0xA00, s25;
	[sflag:s13] =	ssyncadd.s32 $0xFFFFC000  }
0x43: {  	[tilespmem:s2], [sflag:$0x3] =	stream.linear.gather [hbm4b:s26+s2], $0x100, $0x38;
	[tilespmem:$0x1C200] =	vst v63  }
0x44: {  	_ =	swait.ge [sflag:s15], $0x100  }
0x45: {  	[sflag:s15] =	ssyncset.done $0x0  }
0x46: {  	[sflag:s15] =	ssyncadd.s32 $0xFFFFFF00  }
0x47: {  	[tilespmem:s17], [sflag:$0x1] =	stream.indirect.gather [hbm4b:s4+s16], $0x80, s2, s16, $0xb8;
	[tilespmem:$0x1C200] =	vst v63  }
0x48: {  	_ =	swait.ge [sflag:s21], $0x4000  }
0x49: {  	[sflag:s21] =	ssyncset.done $0x0  }
.Ltmp0:
0x4a: {  	[sflag:s21] =	ssyncadd.s32 $0xFFFFC000;
	(pc) =	sbr.rel @p0 .LBB2_2-.Ltmp0, $4  }
0x4b: {  	[spmem:s1] =	stream.indirect.scatter.add.f32 [tilespmem:s19], [sflag:$0x5], $0x80, s22, s16, $0xb8;
	[tilespmem:$0x1C200] =	vst v63  }
0x4c: {  	_ =	swait.ge [sflag:s13], $0x4000  }
0x4d: {  	[sflag:s13] =	ssyncset.done $0x0  }
0x4e: {  	s25 =	sadd.s32 $0xA20, s25;
	[sflag:s13] =	ssyncadd.s32 $0xFFFFC000  }
0x4f: {  	[tilespmem:s14], [sflag:$0x4] =	stream.linear.gather [hbm4b:s25+s2], $0x100, $0x38;
	[tilespmem:$0x1C200] =	vst v63  }
0x50: {  	_ =	swait.ge [sflag:s18], $0x100  }
0x51: {  	[sflag:s18] =	ssyncset.done $0x0  }
0x52: {  	[sflag:s18] =	ssyncadd.s32 $0xFFFFFF00  }
0x53: {  	[tilespmem:s19], [sflag:$0x2] =	stream.indirect.gather [hbm4b:s4+s16], $0x80, s14, s16, $0xb8;
	[tilespmem:$0x1C200] =	vst v63  }
0x54: {  	_ =	swait.ge [sflag:s20], $0x4000  }
0x55: {  	[sflag:s20] =	ssyncset.done $0x0  }
0x56: {  	[sflag:s20] =	ssyncadd.s32 $0xFFFFC000  }
0x57: {  	[spmem:s1] =	stream.indirect.scatter.add.f32 [tilespmem:s17], [sflag:$0x5], $0x80, s16, s16, $0xb8;
	[tilespmem:$0x1C200] =	vst v63  }
0x58: {  	_ =	swait.ge [sflag:s13], $0x4000  }
0x59: {  	[sflag:s13] =	ssyncset.done $0x0  }
0x5a: {  	[sflag:s13] =	ssyncadd.s32 $0xFFFFC000  }
0x5b: {  	_ =	swait.ge [sflag:s21], $0x4000  }
0x5c: {  	[sflag:s21] =	ssyncset.done $0x0  }
0x5d: {  	[sflag:s21] =	ssyncadd.s32 $0xFFFFC000  }
0x5e: {  	[spmem:s1] =	stream.indirect.scatter.add.f32 [tilespmem:s19], [sflag:$0x5], $0x80, s22, s16, $0xb8;
	[tilespmem:$0x1C200] =	vst v63  }
0x5f: {  	_ =	swait.ge [sflag:s13], $0x4000  }
0x60: {  	s23 =	sadd.s32 $0x1, s23;
	[sflag:s13] =	ssyncset.done $0x0  }
0x61: {  	p0 =	sne.s32 s23, s9;
	[sflag:s13] =	ssyncadd.s32 $0xFFFFC000  }
.Ltmp1:
0x62: {  	[bflag:$0x0] =	sbarrier.arrive $0xFFFF;
	(pc) =	sbr.rel @p0 .LBB2_1-.Ltmp1, $4  }
0x63: {  	[hbm:s10], [sflag:s6] =	dma.local [spmem:s12], $0x2800  }
0x64: {  	_ =	swait.ge [sflag:s13], $0x2800  }
0x65: {  	[sflag:s13] =	ssyncset.done $0x0  }
0x66: {  	[sflag:s13] =	ssyncadd.s32 $0xFFFFD800  }
0x67: {  	_ =	sfence.sel $0x180000  }
0x68: {  	[bflag:$0x0] =	sbarrier.arrive $0xFFFF  }
0x69: {  	p0 =	sne.s32 s3, $0x0;
	_ =	strace $0x9000004A  }
0x6a: {  	s0 =	sadd.s32 @!p0 $0x100000, s0;
	[bflag:$0x2] =	sbarrier.arrive $0xFFFF  }
0x6b: {  	[sflag:s0] =	ssyncadd.tile.s32 @!p0 $0x1;
	_ =	shalt  }
.Lfunc_end2:
_tile_overlayer_lowered:
.L_overlay_start_2:
0x6c: {  	(tag) =	ssettag $0x2  }
0x6d: {  	s0 =	rddreg [dreg:$0x0];
	s2 =	stileid.u32  }
0x6e: {  	s1 =	rddreg [dreg:$0x1];
	p0 =	sne.s32 s2, $0x0  }
0x6f: {  	s3 =	rddreg [dreg:$0x2];
	[bflag:$0x3] =	sbarrier.arrive $0xFFFF;
	s2 =	simm.s32 @!p0 $0x1C05  }
0x70: {  	[timem:s3], [sflag:s2] =	dma.local @!p0 [hbm:s0], s1  }
0x71: {  	s0 =	simm.s32 @!p0 $0x5  }
0x72: {  	_ =	swait.ge @!p0 [sflag:s0], s1  }
0x73: {  	s1 =	ssub.s32 @!p0 $0x0, s1;
	[sflag:s0] =	ssyncset.done @!p0 $0x0  }
0x74: {  	[sflag:s0] =	ssyncadd.s32 @!p0 s1  }
0x75: {  	[bflag:$0x3] =	sbarrier.arrive $0xFFFF  }
0x76: {  	_ =	shalt  }

// kernel: kernel.14.cloned.1.call-start
scs
__scs_entry_jumppad:
0x0: {  	(pc) =	sbr.rel $0x88, $3  }
0x1: {  	(tag) =	ssettag $0x0;
	lr =	simm.s32 $0x1  }
0x2: {  	[smem:$0x3F9B] =	sst lr;
	_ =	strace $0xD0000000  }
0x3: {  	_ = 	snop  }
0x4: {  	_ = 	snop  }
0x5: {  	_ = 	snop  }
0x6: {  	_ = 	snop  }
0x7: {  	_ = 	snop  }
__scs_overlays_trampoline_lowered:
0x8: {  	[smem:$0x3FAA] =	sst s0  }
0x9: {  	[smem:$0x3FAB] =	sst s1  }
0xa: {  	[smem:$0x3FAC] =	sst s2  }
0xb: {  	[smem:$0x3FAD] =	sst s3  }
0xc: {  	[smem:$0x3FAE] =	sst s4  }
0xd: {  	[smem:$0x3FAF] =	sst s5  }
0xe: {  	[smem:$0x3FB0] =	sst s6  }
0xf: {  	[smem:$0x3FB1] =	sst s7  }
0x10: {  	[smem:$0x3FB2] =	sst s8  }
0x11: {  	[smem:$0x3FB3] =	sst s9;
	s0 =	simm.s32 @!p0 $0x0  }
0x12: {  	s1 =	sld [smem:$0x3F99];
	s0 =	simm.s32 @p0 $0x1  }
0x13: {  	[smem:$0x3FB4] =	sst s0;
	s0 =	simm.s32 @!p1 $0x0  }
0x14: {  	s2 =	sld [smem:$0x3F98];
	s0 =	simm.s32 @p1 $0x1  }
0x15: {  	[smem:$0x3FB5] =	sst s0;
	s0 =	simm.s32 @!p2 $0x0  }
0x16: {  	s3 =	sld [smem:$0x3FDB];
	s0 =	simm.s32 @p2 $0x1  }
0x17: {  	s4 =	simm.s32 $0x1BF5;
	[smem:$0x3FB7] =	sst s0  }
0x18: {  	s0 =	sld [smem:$0x3F9A];
	_ =	swait.ge [sflag:s4], $0x0  }
0x19: {  	s7 =	sld [smem:$0x3F9B]  }
0x1a: {  	s8 =	sadd.s32 $0xFFFFE003, lr  }
0x1b: {  	s9 =	sadd.s32 $0xFFFFFEF7, lr;
	s5 =	simm.s32 $0xFFFFFFFF;
	p2 =	slt.u32 s8, $0xFFFFF086  }
0x1c: {  	p1 =	slt.u32 s9, $0xF7A;
	s5 =	simm.s32 @!p2 $0x0  }
0x1d: {  	s5 =	simm.s32 @p1 $0x1;
	p0 =	seq.s32 s7, s2  }
0x1e: {  	s7 =	smul.u32 @!p0 $0xF7A, s2;
	p2 =	seq.s32 @!p0 s5, $0x0  }
0x1f: {  	s9 =	smul.u32 $0xF7A, s1;
	s8 =	simm.s32 @!p0 $0x1BF5;
	p2 =	por !p2, p0  }
0x20: {  	[sflag:s8] =	ssyncset.s32 @!p0 $0xFFFFF086;
	s6 =	sadd.s32 @!p0 s3, s7;
	s7 =	simm.s32 @!p0 $0x108  }
0x21: {  	s3 =	sadd.s32 s3, s9;
	s6 =	sadd.s32 @!p0 $0x88, s6;
	s7 =	simm.s32 @p2 $0x1082  }
0x22: {  	[simem:s7], [sflag:s8] =	dma.local @!p0 [hbm:s6], $0xF7A  }
0x23: {  	s9 =	sor.u32 $0xD0000000, s2;
	s6 =	simm.s32 $0x108;
	_ =	swait.ge @!p0 [sflag:s8], $0x0  }
0x24: {  	s3 =	sadd.s32 $0x88, s3;
	s6 =	simm.s32 @!p1 $0x1082;
	[sflag:s4] =	ssyncset.s32 $0xFFFFF086  }
0x25: {  	[simem:s6], [sflag:s4] =	dma.local [hbm:s3], $0xF7A  }
0x26: {  	[smem:$0x3F9B] =	sst s1;
	(tag) =	ssettag s2;
	_ =	strace s9  }
0x27: {  	s1 =	sld [smem:$0x3FAB]  }
0x28: {  	s2 =	sld [smem:$0x3FAC]  }
0x29: {  	s4 =	sld [smem:$0x3FAE]  }
0x2a: {  	p0 =	seq.s32 s5, $0x0;
	s5 =	sld [smem:$0x3FAF]  }
0x2b: {  	s6 =	sld [smem:$0x3FB0]  }
0x2c: {  	s7 =	sld [smem:$0x3FB1]  }
0x2d: {  	s3 =	simm.s32 $0x108;
	s8 =	sld [smem:$0x3FB2]  }
0x2e: {  	s3 =	simm.s32 @!p0 $0x1082;
	s9 =	sld [smem:$0x3FB3]  }
0x2f: {  	lr =	sadd.s32 s0, s3;
	s0 =	sld [smem:$0x3FAA]  }
0x30: {  	s3 =	sld [smem:$0x3FAD]  }
0x31: {  	[smem:$0x3FB6] =	sst s10  }
0x32: {  	s10 =	sld [smem:$0x3FB4];
	_ =	sdelay $0x3  }
0x33: {  	p0 =	seq.s32 s10, $0x1;
	s10 =	sld [smem:$0x3FB6];
	_ =	sdelay $0x3  }
0x34: {  	[smem:$0x3FB6] =	sst s10  }
0x35: {  	s10 =	sld [smem:$0x3FB5];
	_ =	sdelay $0x3  }
0x36: {  	p1 =	seq.s32 s10, $0x1;
	s10 =	sld [smem:$0x3FB6];
	_ =	sdelay $0x3  }
0x37: {  	[smem:$0x3FB6] =	sst s10  }
0x38: {  	s10 =	sld [smem:$0x3FB7]  }
0x39: {  	_ = 	snop;
	(pc) =	sbr.ind lr, $3  }
0x3a: {  	_ = 	snop  }
0x3b: {  	_ = 	snop  }
0x3c: {  	p2 =	seq.s32 s10, $0x1;
	s10 =	sld [smem:$0x3FB6]  }
0x3d: {  	_ =	shalt  }
0x3e: {  	_ =	shalt  }
0x3f: {  	_ =	shalt  }
0x40: {  	_ =	shalt  }
0x41: {  	_ =	shalt  }
0x42: {  	_ =	shalt  }
0x43: {  	_ =	shalt  }
0x44: {  	_ =	shalt  }
0x45: {  	_ =	shalt  }
0x46: {  	_ =	shalt  }
0x47: {  	_ =	shalt  }
0x48: {  	_ =	shalt  }
0x49: {  	_ =	shalt  }
0x4a: {  	_ =	shalt  }
0x4b: {  	_ =	shalt  }
0x4c: {  	_ =	shalt  }
0x4d: {  	_ =	shalt  }
0x4e: {  	_ =	shalt  }
0x4f: {  	_ =	shalt  }
0x50: {  	_ =	shalt  }
0x51: {  	_ =	shalt  }
0x52: {  	_ =	shalt  }
0x53: {  	_ =	shalt  }
0x54: {  	_ =	shalt  }
0x55: {  	_ =	shalt  }
0x56: {  	_ =	shalt  }
0x57: {  	_ =	shalt  }
0x58: {  	_ =	shalt  }
0x59: {  	_ =	shalt  }
0x5a: {  	_ =	shalt  }
0x5b: {  	_ =	shalt  }
0x5c: {  	_ =	shalt  }
0x5d: {  	_ =	shalt  }
0x5e: {  	_ =	shalt  }
0x5f: {  	_ =	shalt  }
0x60: {  	_ =	shalt  }
0x61: {  	_ =	shalt  }
0x62: {  	_ =	shalt  }
0x63: {  	_ =	shalt  }
0x64: {  	_ =	shalt  }
0x65: {  	_ =	shalt  }
0x66: {  	_ =	shalt  }
0x67: {  	_ =	shalt  }
0x68: {  	_ =	shalt  }
0x69: {  	_ =	shalt  }
0x6a: {  	_ =	shalt  }
0x6b: {  	_ =	shalt  }
0x6c: {  	_ =	shalt  }
0x6d: {  	_ =	shalt  }
0x6e: {  	_ =	shalt  }
0x6f: {  	_ =	shalt  }
0x70: {  	_ =	shalt  }
0x71: {  	_ =	shalt  }
0x72: {  	_ =	shalt  }
0x73: {  	_ =	shalt  }
0x74: {  	_ =	shalt  }
0x75: {  	_ =	shalt  }
0x76: {  	_ =	shalt  }
0x77: {  	_ =	shalt  }
0x78: {  	_ =	shalt  }
0x79: {  	_ =	shalt  }
0x7a: {  	_ =	shalt  }
0x7b: {  	_ =	shalt  }
0x7c: {  	_ =	shalt  }
0x7d: {  	_ =	shalt  }
0x7e: {  	_ =	shalt  }
0x7f: {  	_ =	shalt  }
0x80: {  	_ =	shalt  }
0x81: {  	_ =	shalt  }
0x82: {  	_ =	shalt  }
0x83: {  	_ =	shalt  }
0x84: {  	_ =	shalt  }
0x85: {  	_ =	shalt  }
0x86: {  	_ =	shalt  }
0x87: {  	_ =	shalt  }
.Lfunc_end0:
.L_simem_size_0:
called_computation.2_lowered:
.L_overlay_start_0:
0x88: {  	s2 =	sld [smem:$0x3FD9]  }
0x89: {  	s3 =	sld [smem:$0x3FFE];
	_ =	sdelay $0x1  }
0x8a: {  	s1 =	srdreg.scid  }
0x8b: {  	s0 =	sand.u32 $0x1, s1  }
0x8c: {  	s17 =	sshll.u32 s0, $0xA;
	s2 =	sadd.s32 s3, s2  }
0x8d: {  	s2 =	sadd.s32 s2, s17  }
0x8e: {  	[smem:$0x3FC2] =	sst s2  }
0x8f: {  	_ = 	snop  }
0x90: {  	s2 =	sld [smem:$0x3FD0];
	(tm) =	ssettm $0x1  }
0x91: {  	s18 =	sld [smem:$0x3FFB];
	_ =	sdelay $0x3  }
0x92: {  	_ =	strace s18  }
0x93: {  	s3 =	sld [smem:$0x3FFC];
	_ =	sdelay $0x3  }
0x94: {  	_ =	strace s3  }
0x95: {  	s3 =	sld [smem:$0x3FFD];
	_ =	sdelay $0x3  }
0x96: {  	_ =	strace s3  }
0x97: {  	_ =	strace $0x8FFFFFFF  }
0x98: {  	s19 =	sld [smem:$0x3FDB];
	_ =	sdelay $0x1  }
0x99: {  	s4 =	simm.s32 $_scs_section_size  }
0x9a: {  	s5 =	simm.s32 $_size__tile_overlayer_lowered;
	s6 =	simm.s32 $_tile_overlayer_lowered  }
0x9b: {  	s22 =	simm.s32 $0x1BFF;
	s21 =	sshll.u32 s6, $0x1;
	s3 =	sadd.s32 s4, s19  }
0x9c: {  	s7 =	simm.s32 $0x0;
	s20 =	sshll.u32 s5, $0x1;
	s5 =	sadd.s32 s21, s3  }
0x9d: {  	[timem:s7], [sflag:s22] =	dma.local [hbm:s5], s20  }
0x9e: {  	_ =	swait.ge [sflag:s22], s20  }
0x9f: {  	s4 =	ssub.s32 $0x0, s20;
	[sflag:s22] =	ssyncset.done $0x0  }
0xa0: {  	[sflag:s22] =	ssyncadd.s32 s4;
	_ =	sdelay $0x1  }
0xa1: {  	s23 =	simm.s32 $0x1B8B  }
0xa2: {  	_ =	swait.ge [sflag:s23], $0x1  }
0xa3: {  	[sflag:s23] =	ssyncset.done $0x0  }
0xa4: {  	s25 =	simm.s32 $0x1B8E;
	s24 =	sld [smem:$0x3FFE];
	[sflag:s23] =	ssyncadd.s32 $0xFFFFFFFF  }
0xa5: {  	s26 =	simm.s32 $execute0_lowered;
	[smem:$0x3FD2] =	sst s25  }
0xa6: {  	s5 =	sshll.u32 s26, $0x1;
	_ =	strace $0x8000004C;
	[dreg:$0x1] =	wrdreg $0xFFFFFFFF  }
0xa7: {  	s28 =	simm.s32 $_size_execute0_lowered;
	s3 =	sadd.s32 s3, s5;
	[dreg:$0x0] =	wrdreg $0x0  }
0xa8: {  	s5 =	sshll.u32 s28, $0x1;
	[dreg:$0x2] =	wrdreg s3  }
0xa9: {  	[dreg:$0x3] =	wrdreg s5  }
0xaa: {  	[dreg:$0x4] =	wrdreg $0xC0  }
0xab: {  	_ =	task [dreg:s7], $0x5FFFF  }
0xac: {  	[dreg:$0x1] =	wrdreg $0xFFFFFFFF  }
0xad: {  	[dreg:$0x0] =	wrdreg $0x60  }
0xae: {  	[dreg:$0x2] =	wrdreg s24  }
0xaf: {  	[dreg:$0x3] =	wrdreg s2  }
0xb0: {  	[dreg:$0x4] =	wrdreg $0x82000  }
0xb1: {  	[dreg:$0x5] =	wrdreg $0x9  }
0xb2: {  	_ =	task.clear_ibuf [dreg:s7], $0x6FFFF;
	_ =	strace $0x9000004C  }
0xb3: {  	s29 =	simm.s32 $0x9;
	_ =	strace $0x8000004E  }
0xb4: {  	_ =	swait.ge [sflag:s29], $0x1  }
0xb5: {  	[sflag:s29] =	ssyncadd.s32 $0xFFFFFFFF  }
0xb6: {  	_ =	strace $0x9000004E  }
0xb7: {  	_ =	sfence  }
0xb8: {  	s30 =	sld [smem:$0x0];
	_ =	sdelay $0x2  }
0xb9: {  	s31 =	sshll.u32 s1, $0xD;
	s1 =	sshrl.u32 s1, $0x2  }
0xba: {  	s3 =	sand.u32 $0x4000, s31;
	s1 =	sadd.s32 s1, s30  }
0xbb: {  	s0 =	sor.u32 s3, s0;
	s1 =	sshll.u32 s1, $0x11  }
0xbc: {  	s0 =	sor.u32 s1, s0  }
0xbd: {  	s0 =	sadd.s32 $0x8F2B, s0  }
0xbe: {  	[sflag:s0] =	ssyncadd.remote.s32 $0x1  }
0xbf: {  	_ =	sfence.sel $0xFFFF  }
0xc0: {  	[dreg:$0x0] =	wrdreg $0xFFFFFFFF;
	(pc) =	sbr.abs _section_cstart, $3  }
0xc1: {  	[dreg:$0x1] =	wrdreg $0xFFFFFFFF  }
0xc2: {  	_ =	task.clear_ibuf [dreg:s7], $0x2FFFF;
	_ =	strace $0x9FFFFFFF  }
0xc3: {  	(tm) =	ssettm $0x7FFFFFFF  }
tec
execute0_lowered:
.L_overlay_start_1:
0x0: {  	(tag) =	ssettag $0x1  }
0x1: {  	s9 =	rddreg [dreg:$0x0]  }
0x2: {  	s10 =	rddreg [dreg:$0x1]  }
0x3: {  	s1 =	rddreg [dreg:$0x2]  }
0x4: {  	s0 =	rddreg [dreg:$0x3];
	s2 =	simm.s32 $0x0;
	s3 =	srdreg.scid  }
0x5: {  	s15 =	simm.s32 $0xC1200;
	s17 =	simm.s32 $0x200;
	s18 =	simm.s32 $0x4  }
0x6: {  	s19 =	simm.s32 $0x4200;
	s20 =	simm.s32 $0x1;
	s21 =	simm.s32 $0x2  }
0x7: {  	s22 =	simm.s32 $0x180;
	s23 =	simm.s32 $0x0;
	[smem:$0x7FF] =	sst s2  }
0x8: {  	s7 =	sand.u32 $0x1, s3;
	s4 =	sadd.s32 $0x72000, s9;
	s3 =	stileid.u32  }
0x9: {  	s5 =	sadd.s32 $0x3800, s9;
	_ =	strace $0x8000004D;
	s12 =	smul.u32 $0x50000, s3  }
0xa: {  	s6 =	ssub.s32 $0x2, s7;
	s11 =	sshll.u32 s7, $0x4;
	s30 =	smul.u32 $0x2800, s3  }
0xb: {  	s28 =	sshll.u32 s3, $0x6;
	p0 =	seq.s32 s7, $0x1;
	s16 =	smul.u32 $0x5000, s7  }
0xc: {  	s31 =	smul.u32 $0x500, s3;
	s8 =	sshrl.u32 s6, $0x1;
	s25 =	sor.u32 s3, s11  }
0xd: {  	s15 =	simm.s32 @!p0 $0x99200;
	s13 =	ssub.s32 s6, s8;
	s26 =	sshrl.u32 s12, $0x2  }
0xe: {  	s29 =	smul.u32 $0x500, s25;
	s6 =	sor.u32 $0x1C05, s28;
	s15 =	sadd.s32 s15, s9  }
0xf: {  	s16 =	sadd.s32 s16, s10;
	s14 =	sadd.s32 s26, s1;
	s9 =	smax.u32 s13, $0x1  }
0x10: {  	s11 =	sadd.s32 s31, s16;
	s13 =	simm.s32 $0x5;
	s16 =	simm.s32 $0x80  }
0x11: {  	s7 =	sadd.s32 s10, s29;
	s10 =	sadd.s32 s15, s30;
	s12 =	sshrl.u32 s14, $0x3  }
0x12: {  	s14 =	simm.s32 $0x100;
	s15 =	simm.s32 $0x3;
	s8 =	sadd.s32 $0x20, s7  }
.LBB2_1:
0x13: {  	[spmem:s12], [sflag:s6] =	dma.local [hbm:s5], $0x2800  }
0x14: {  	_ =	swait.ge [sflag:s13], $0x2800  }
0x15: {  	[sflag:s13] =	ssyncset.done $0x0  }
0x16: {  	[sflag:s13] =	ssyncadd.s32 $0xFFFFD800  }
0x17: {  	[bflag:$0x0] =	sbarrier.arrive $0xFFFF  }
0x18: {  	[tilespmem:s2], [sflag:$0x3] =	stream.linear.gather [hbm4b:s7+s2], $0x100, $0x38;
	[tilespmem:$0x1C200] =	vst v63  }
0x19: {  	_ = 	snop  }
0x1a: {  	[tilespmem:s14], [sflag:$0x4] =	stream.linear.gather [hbm4b:s8+s2], $0x100, $0x38;
	[tilespmem:$0x1C200] =	vst v63  }
0x1b: {  	_ =	swait.ge [sflag:s15], $0x100  }
0x1c: {  	[sflag:s15] =	ssyncset.done $0x0  }
0x1d: {  	[sflag:s15] =	ssyncadd.s32 $0xFFFFFF00  }
0x1e: {  	[tilespmem:s17], [sflag:$0x1] =	stream.indirect.gather [hbm4b:s4+s16], $0x80, s2, s16, $0xb8;
	[tilespmem:$0x1C200] =	vst v63  }
0x1f: {  	_ =	swait.ge [sflag:s18], $0x100  }
0x20: {  	[sflag:s18] =	ssyncset.done $0x0  }
0x21: {  	[sflag:s18] =	ssyncadd.s32 $0xFFFFFF00  }
0x22: {  	[tilespmem:s19], [sflag:$0x2] =	stream.indirect.gather [hbm4b:s4+s16], $0x80, s14, s16, $0xb8;
	[tilespmem:$0x1C200] =	vst v63  }
0x23: {  	_ =	swait.ge [sflag:s20], $0x4000  }
0x24: {  	[sflag:s20] =	ssyncset.done $0x0  }
0x25: {  	[sflag:s20] =	ssyncadd.s32 $0xFFFFC000  }
0x26: {  	[spmem:s1] =	stream.indirect.scatter.add.f32 [tilespmem:s17], [sflag:$0x5], $0x80, s16, s16, $0xb8;
	[tilespmem:$0x1C200] =	vst v63  }
0x27: {  	_ =	swait.ge [sflag:s13], $0x4000  }
0x28: {  	s25 =	sadd.s32 $0xFFFFFB40, s11;
	[sflag:s13] =	ssyncset.done $0x0  }
0x29: {  	s24 =	sadd.s32 $0x500, s25;
	[sflag:s13] =	ssyncadd.s32 $0xFFFFC000  }
0x2a: {  	[tilespmem:s2], [sflag:$0x3] =	stream.linear.gather [hbm4b:s24+s2], $0x100, $0x38;
	[tilespmem:$0x1C200] =	vst v63  }
0x2b: {  	_ =	swait.ge [sflag:s15], $0x100  }
0x2c: {  	[sflag:s15] =	ssyncset.done $0x0  }
0x2d: {  	[sflag:s15] =	ssyncadd.s32 $0xFFFFFF00  }
0x2e: {  	[tilespmem:s17], [sflag:$0x1] =	stream.indirect.gather [hbm4b:s4+s16], $0x80, s2, s16, $0xb8;
	[tilespmem:$0x1C200] =	vst v63  }
0x2f: {  	_ =	swait.ge [sflag:s21], $0x4000  }
0x30: {  	[sflag:s21] =	ssyncset.done $0x0  }
0x31: {  	[sflag:s21] =	ssyncadd.s32 $0xFFFFC000  }
0x32: {  	[spmem:s1] =	stream.indirect.scatter.add.f32 [tilespmem:s19], [sflag:$0x5], $0x80, s22, s16, $0xb8;
	[tilespmem:$0x1C200] =	vst v63  }
0x33: {  	_ =	swait.ge [sflag:s13], $0x4000  }
0x34: {  	[sflag:s13] =	ssyncset.done $0x0  }
0x35: {  	s25 =	sadd.s32 $0x520, s25;
	s24 =	simm.s32 $0xFFFFFB80;
	[sflag:s13] =	ssyncadd.s32 $0xFFFFC000  }
.LBB2_2:
0x36: {  	[tilespmem:s14], [sflag:$0x4] =	stream.linear.gather [hbm4b:s25+s2], $0x100, $0x38;
	[tilespmem:$0x1C200] =	vst v63  }
0x37: {  	s25 =	smov.u32 s24  }
0x38: {  	p0 =	sne.s32 s24, $0xFFFFFFC0;
	s24 =	sadd.s32 $0x40, s24;
	_ =	swait.ge [sflag:s18], $0x100  }
0x39: {  	[sflag:s18] =	ssyncset.done $0x0  }
0x3a: {  	[sflag:s18] =	ssyncadd.s32 $0xFFFFFF00  }
0x3b: {  	[tilespmem:s19], [sflag:$0x2] =	stream.indirect.gather [hbm4b:s4+s16], $0x80, s14, s16, $0xb8;
	[tilespmem:$0x1C200] =	vst v63  }
0x3c: {  	_ =	swait.ge [sflag:s20], $0x4000  }
0x3d: {  	[sflag:s20] =	ssyncset.done $0x0  }
0x3e: {  	[sflag:s20] =	ssyncadd.s32 $0xFFFFC000  }
0x3f: {  	[spmem:s1] =	stream.indirect.scatter.add.f32 [tilespmem:s17], [sflag:$0x5], $0x80, s16, s16, $0xb8;
	[tilespmem:$0x1C200] =	vst v63  }
0x40: {  	_ =	swait.ge [sflag:s13], $0x4000  }
0x41: {  	s25 =	sadd.s32 s25, s11;
	[sflag:s13] =	ssyncset.done $0x0  }
0x42: {  	s26 =	sadd.s32 $0x500, s25;
	[sflag:s13] =	ssyncadd.s32 $0xFFFFC000  }
0x43: {  	[tilespmem:s2], [sflag:$0x3] =	stream.linear.gather [hbm4b:s26+s2], $0x100, $0x38;
	[tilespmem:$0x1C200] =	vst v63  }
0x44: {  	_ =	swait.ge [sflag:s15], $0x100  }
0x45: {  	[sflag:s15] =	ssyncset.done $0x0  }
0x46: {  	[sflag:s15] =	ssyncadd.s32 $0xFFFFFF00  }
0x47: {  	[tilespmem:s17], [sflag:$0x1] =	stream.indirect.gather [hbm4b:s4+s16], $0x80, s2, s16, $0xb8;
	[tilespmem:$0x1C200] =	vst v63  }
0x48: {  	_ =	swait.ge [sflag:s21], $0x4000  }
0x49: {  	[sflag:s21] =	ssyncset.done $0x0  }
.Ltmp0:
0x4a: {  	[sflag:s21] =	ssyncadd.s32 $0xFFFFC000;
	(pc) =	sbr.rel @p0 .LBB2_2-.Ltmp0, $4  }
0x4b: {  	[spmem:s1] =	stream.indirect.scatter.add.f32 [tilespmem:s19], [sflag:$0x5], $0x80, s22, s16, $0xb8;
	[tilespmem:$0x1C200] =	vst v63  }
0x4c: {  	_ =	swait.ge [sflag:s13], $0x4000  }
0x4d: {  	[sflag:s13] =	ssyncset.done $0x0  }
0x4e: {  	s25 =	sadd.s32 $0x520, s25;
	[sflag:s13] =	ssyncadd.s32 $0xFFFFC000  }
0x4f: {  	[tilespmem:s14], [sflag:$0x4] =	stream.linear.gather [hbm4b:s25+s2], $0x100, $0x38;
	[tilespmem:$0x1C200] =	vst v63  }
0x50: {  	_ =	swait.ge [sflag:s18], $0x100  }
0x51: {  	[sflag:s18] =	ssyncset.done $0x0  }
0x52: {  	[sflag:s18] =	ssyncadd.s32 $0xFFFFFF00  }
0x53: {  	[tilespmem:s19], [sflag:$0x2] =	stream.indirect.gather [hbm4b:s4+s16], $0x80, s14, s16, $0xb8;
	[tilespmem:$0x1C200] =	vst v63  }
0x54: {  	_ =	swait.ge [sflag:s20], $0x4000  }
0x55: {  	[sflag:s20] =	ssyncset.done $0x0  }
0x56: {  	[sflag:s20] =	ssyncadd.s32 $0xFFFFC000  }
0x57: {  	[spmem:s1] =	stream.indirect.scatter.add.f32 [tilespmem:s17], [sflag:$0x5], $0x80, s16, s16, $0xb8;
	[tilespmem:$0x1C200] =	vst v63  }
0x58: {  	_ =	swait.ge [sflag:s13], $0x4000  }
0x59: {  	[sflag:s13] =	ssyncset.done $0x0  }
0x5a: {  	[sflag:s13] =	ssyncadd.s32 $0xFFFFC000  }
0x5b: {  	_ =	swait.ge [sflag:s21], $0x4000  }
0x5c: {  	[sflag:s21] =	ssyncset.done $0x0  }
0x5d: {  	[sflag:s21] =	ssyncadd.s32 $0xFFFFC000  }
0x5e: {  	[spmem:s1] =	stream.indirect.scatter.add.f32 [tilespmem:s19], [sflag:$0x5], $0x80, s22, s16, $0xb8;
	[tilespmem:$0x1C200] =	vst v63  }
0x5f: {  	_ =	swait.ge [sflag:s13], $0x4000  }
0x60: {  	s23 =	sadd.s32 $0x1, s23;
	[sflag:s13] =	ssyncset.done $0x0  }
0x61: {  	p0 =	sne.s32 s23, s9;
	[sflag:s13] =	ssyncadd.s32 $0xFFFFC000  }
.Ltmp1:
0x62: {  	[bflag:$0x0] =	sbarrier.arrive $0xFFFF;
	(pc) =	sbr.rel @p0 .LBB2_1-.Ltmp1, $4  }
0x63: {  	[hbm:s10], [sflag:s6] =	dma.local [spmem:s12], $0x2800  }
0x64: {  	_ =	swait.ge [sflag:s13], $0x2800  }
0x65: {  	[sflag:s13] =	ssyncset.done $0x0  }
0x66: {  	[sflag:s13] =	ssyncadd.s32 $0xFFFFD800  }
0x67: {  	_ =	sfence.sel $0x180000  }
0x68: {  	[bflag:$0x0] =	sbarrier.arrive $0xFFFF  }
0x69: {  	p0 =	sne.s32 s3, $0x0;
	_ =	strace $0x9000004D  }
0x6a: {  	s0 =	sadd.s32 @!p0 $0x100000, s0;
	[bflag:$0x2] =	sbarrier.arrive $0xFFFF  }
0x6b: {  	[sflag:s0] =	ssyncadd.tile.s32 @!p0 $0x1;
	_ =	shalt  }
.Lfunc_end2:
_tile_overlayer_lowered:
.L_overlay_start_2:
0x6c: {  	(tag) =	ssettag $0x2  }
0x6d: {  	s0 =	rddreg [dreg:$0x0];
	s2 =	stileid.u32  }
0x6e: {  	s1 =	rddreg [dreg:$0x1];
	p0 =	sne.s32 s2, $0x0  }
0x6f: {  	s3 =	rddreg [dreg:$0x2];
	[bflag:$0x3] =	sbarrier.arrive $0xFFFF;
	s2 =	simm.s32 @!p0 $0x1C05  }
0x70: {  	[timem:s3], [sflag:s2] =	dma.local @!p0 [hbm:s0], s1  }
0x71: {  	s0 =	simm.s32 @!p0 $0x5  }
0x72: {  	_ =	swait.ge @!p0 [sflag:s0], s1  }
0x73: {  	s1 =	ssub.s32 @!p0 $0x0, s1;
	[sflag:s0] =	ssyncset.done @!p0 $0x0  }
0x74: {  	[sflag:s0] =	ssyncadd.s32 @!p0 s1  }
0x75: {  	[bflag:$0x3] =	sbarrier.arrive $0xFFFF  }
0x76: {  	_ =	shalt  }

// kernel: kernel.8.cloned.1.call-start
scs
__scs_entry_jumppad:
0x0: {  	(pc) =	sbr.rel $0x88, $3  }
0x1: {  	(tag) =	ssettag $0x0;
	lr =	simm.s32 $0x1  }
0x2: {  	[smem:$0x3F9B] =	sst lr;
	_ =	strace $0xD0000000  }
0x3: {  	_ = 	snop  }
0x4: {  	_ = 	snop  }
0x5: {  	_ = 	snop  }
0x6: {  	_ = 	snop  }
0x7: {  	_ = 	snop  }
__scs_overlays_trampoline_lowered:
0x8: {  	[smem:$0x3FAA] =	sst s0  }
0x9: {  	[smem:$0x3FAB] =	sst s1  }
0xa: {  	[smem:$0x3FAC] =	sst s2  }
0xb: {  	[smem:$0x3FAD] =	sst s3  }
0xc: {  	[smem:$0x3FAE] =	sst s4  }
0xd: {  	[smem:$0x3FAF] =	sst s5  }
0xe: {  	[smem:$0x3FB0] =	sst s6  }
0xf: {  	[smem:$0x3FB1] =	sst s7  }
0x10: {  	[smem:$0x3FB2] =	sst s8  }
0x11: {  	[smem:$0x3FB3] =	sst s9;
	s0 =	simm.s32 @!p0 $0x0  }
0x12: {  	s1 =	sld [smem:$0x3F99];
	s0 =	simm.s32 @p0 $0x1  }
0x13: {  	[smem:$0x3FB4] =	sst s0;
	s0 =	simm.s32 @!p1 $0x0  }
0x14: {  	s2 =	sld [smem:$0x3F98];
	s0 =	simm.s32 @p1 $0x1  }
0x15: {  	[smem:$0x3FB5] =	sst s0;
	s0 =	simm.s32 @!p2 $0x0  }
0x16: {  	s3 =	sld [smem:$0x3FDB];
	s0 =	simm.s32 @p2 $0x1  }
0x17: {  	s4 =	simm.s32 $0x1BF5;
	[smem:$0x3FB7] =	sst s0  }
0x18: {  	s0 =	sld [smem:$0x3F9A];
	_ =	swait.ge [sflag:s4], $0x0  }
0x19: {  	s7 =	sld [smem:$0x3F9B]  }
0x1a: {  	s8 =	sadd.s32 $0xFFFFE003, lr  }
0x1b: {  	s9 =	sadd.s32 $0xFFFFFEF7, lr;
	s5 =	simm.s32 $0xFFFFFFFF;
	p2 =	slt.u32 s8, $0xFFFFF086  }
0x1c: {  	p1 =	slt.u32 s9, $0xF7A;
	s5 =	simm.s32 @!p2 $0x0  }
0x1d: {  	s5 =	simm.s32 @p1 $0x1;
	p0 =	seq.s32 s7, s2  }
0x1e: {  	s7 =	smul.u32 @!p0 $0xF7A, s2;
	p2 =	seq.s32 @!p0 s5, $0x0  }
0x1f: {  	s9 =	smul.u32 $0xF7A, s1;
	s8 =	simm.s32 @!p0 $0x1BF5;
	p2 =	por !p2, p0  }
0x20: {  	[sflag:s8] =	ssyncset.s32 @!p0 $0xFFFFF086;
	s6 =	sadd.s32 @!p0 s3, s7;
	s7 =	simm.s32 @!p0 $0x108  }
0x21: {  	s3 =	sadd.s32 s3, s9;
	s6 =	sadd.s32 @!p0 $0x88, s6;
	s7 =	simm.s32 @p2 $0x1082  }
0x22: {  	[simem:s7], [sflag:s8] =	dma.local @!p0 [hbm:s6], $0xF7A  }
0x23: {  	s9 =	sor.u32 $0xD0000000, s2;
	s6 =	simm.s32 $0x108;
	_ =	swait.ge @!p0 [sflag:s8], $0x0  }
0x24: {  	s3 =	sadd.s32 $0x88, s3;
	s6 =	simm.s32 @!p1 $0x1082;
	[sflag:s4] =	ssyncset.s32 $0xFFFFF086  }
0x25: {  	[simem:s6], [sflag:s4] =	dma.local [hbm:s3], $0xF7A  }
0x26: {  	[smem:$0x3F9B] =	sst s1;
	(tag) =	ssettag s2;
	_ =	strace s9  }
0x27: {  	s1 =	sld [smem:$0x3FAB]  }
0x28: {  	s2 =	sld [smem:$0x3FAC]  }
0x29: {  	s4 =	sld [smem:$0x3FAE]  }
0x2a: {  	p0 =	seq.s32 s5, $0x0;
	s5 =	sld [smem:$0x3FAF]  }
0x2b: {  	s6 =	sld [smem:$0x3FB0]  }
0x2c: {  	s7 =	sld [smem:$0x3FB1]  }
0x2d: {  	s3 =	simm.s32 $0x108;
	s8 =	sld [smem:$0x3FB2]  }
0x2e: {  	s3 =	simm.s32 @!p0 $0x1082;
	s9 =	sld [smem:$0x3FB3]  }
0x2f: {  	lr =	sadd.s32 s0, s3;
	s0 =	sld [smem:$0x3FAA]  }
0x30: {  	s3 =	sld [smem:$0x3FAD]  }
0x31: {  	[smem:$0x3FB6] =	sst s10  }
0x32: {  	s10 =	sld [smem:$0x3FB4];
	_ =	sdelay $0x3  }
0x33: {  	p0 =	seq.s32 s10, $0x1;
	s10 =	sld [smem:$0x3FB6];
	_ =	sdelay $0x3  }
0x34: {  	[smem:$0x3FB6] =	sst s10  }
0x35: {  	s10 =	sld [smem:$0x3FB5];
	_ =	sdelay $0x3  }
0x36: {  	p1 =	seq.s32 s10, $0x1;
	s10 =	sld [smem:$0x3FB6];
	_ =	sdelay $0x3  }
0x37: {  	[smem:$0x3FB6] =	sst s10  }
0x38: {  	s10 =	sld [smem:$0x3FB7]  }
0x39: {  	_ = 	snop;
	(pc) =	sbr.ind lr, $3  }
0x3a: {  	_ = 	snop  }
0x3b: {  	_ = 	snop  }
0x3c: {  	p2 =	seq.s32 s10, $0x1;
	s10 =	sld [smem:$0x3FB6]  }
0x3d: {  	_ =	shalt  }
0x3e: {  	_ =	shalt  }
0x3f: {  	_ =	shalt  }
0x40: {  	_ =	shalt  }
0x41: {  	_ =	shalt  }
0x42: {  	_ =	shalt  }
0x43: {  	_ =	shalt  }
0x44: {  	_ =	shalt  }
0x45: {  	_ =	shalt  }
0x46: {  	_ =	shalt  }
0x47: {  	_ =	shalt  }
0x48: {  	_ =	shalt  }
0x49: {  	_ =	shalt  }
0x4a: {  	_ =	shalt  }
0x4b: {  	_ =	shalt  }
0x4c: {  	_ =	shalt  }
0x4d: {  	_ =	shalt  }
0x4e: {  	_ =	shalt  }
0x4f: {  	_ =	shalt  }
0x50: {  	_ =	shalt  }
0x51: {  	_ =	shalt  }
0x52: {  	_ =	shalt  }
0x53: {  	_ =	shalt  }
0x54: {  	_ =	shalt  }
0x55: {  	_ =	shalt  }
0x56: {  	_ =	shalt  }
0x57: {  	_ =	shalt  }
0x58: {  	_ =	shalt  }
0x59: {  	_ =	shalt  }
0x5a: {  	_ =	shalt  }
0x5b: {  	_ =	shalt  }
0x5c: {  	_ =	shalt  }
0x5d: {  	_ =	shalt  }
0x5e: {  	_ =	shalt  }
0x5f: {  	_ =	shalt  }
0x60: {  	_ =	shalt  }
0x61: {  	_ =	shalt  }
0x62: {  	_ =	shalt  }
0x63: {  	_ =	shalt  }
0x64: {  	_ =	shalt  }
0x65: {  	_ =	shalt  }
0x66: {  	_ =	shalt  }
0x67: {  	_ =	shalt  }
0x68: {  	_ =	shalt  }
0x69: {  	_ =	shalt  }
0x6a: {  	_ =	shalt  }
0x6b: {  	_ =	shalt  }
0x6c: {  	_ =	shalt  }
0x6d: {  	_ =	shalt  }
0x6e: {  	_ =	shalt  }
0x6f: {  	_ =	shalt  }
0x70: {  	_ =	shalt  }
0x71: {  	_ =	shalt  }
0x72: {  	_ =	shalt  }
0x73: {  	_ =	shalt  }
0x74: {  	_ =	shalt  }
0x75: {  	_ =	shalt  }
0x76: {  	_ =	shalt  }
0x77: {  	_ =	shalt  }
0x78: {  	_ =	shalt  }
0x79: {  	_ =	shalt  }
0x7a: {  	_ =	shalt  }
0x7b: {  	_ =	shalt  }
0x7c: {  	_ =	shalt  }
0x7d: {  	_ =	shalt  }
0x7e: {  	_ =	shalt  }
0x7f: {  	_ =	shalt  }
0x80: {  	_ =	shalt  }
0x81: {  	_ =	shalt  }
0x82: {  	_ =	shalt  }
0x83: {  	_ =	shalt  }
0x84: {  	_ =	shalt  }
0x85: {  	_ =	shalt  }
0x86: {  	_ =	shalt  }
0x87: {  	_ =	shalt  }
.Lfunc_end0:
.L_simem_size_0:
called_computation_lowered:
.L_overlay_start_0:
0x88: {  	s2 =	sld [smem:$0x3FD9]  }
0x89: {  	s3 =	sld [smem:$0x3FFE];
	_ =	sdelay $0x1  }
0x8a: {  	s1 =	srdreg.scid  }
0x8b: {  	s0 =	sand.u32 $0x1, s1  }
0x8c: {  	s17 =	sshll.u32 s0, $0xA;
	s2 =	sadd.s32 s3, s2  }
0x8d: {  	s2 =	sadd.s32 s2, s17  }
0x8e: {  	[smem:$0x3FC2] =	sst s2  }
0x8f: {  	_ = 	snop  }
0x90: {  	s2 =	sld [smem:$0x3FD0];
	(tm) =	ssettm $0x1  }
0x91: {  	s18 =	sld [smem:$0x3FFB];
	_ =	sdelay $0x3  }
0x92: {  	_ =	strace s18  }
0x93: {  	s3 =	sld [smem:$0x3FFC];
	_ =	sdelay $0x3  }
0x94: {  	_ =	strace s3  }
0x95: {  	s3 =	sld [smem:$0x3FFD];
	_ =	sdelay $0x3  }
0x96: {  	_ =	strace s3  }
0x97: {  	_ =	strace $0x8FFFFFFF  }
0x98: {  	s19 =	sld [smem:$0x3FDB];
	_ =	sdelay $0x1  }
0x99: {  	s4 =	simm.s32 $_scs_section_size  }
0x9a: {  	s5 =	simm.s32 $_size__tile_overlayer_lowered;
	s6 =	simm.s32 $_tile_overlayer_lowered  }
0x9b: {  	s22 =	simm.s32 $0x1BFF;
	s21 =	sshll.u32 s6, $0x1;
	s3 =	sadd.s32 s4, s19  }
0x9c: {  	s7 =	simm.s32 $0x0;
	s20 =	sshll.u32 s5, $0x1;
	s5 =	sadd.s32 s21, s3  }
0x9d: {  	[timem:s7], [sflag:s22] =	dma.local [hbm:s5], s20  }
0x9e: {  	_ =	swait.ge [sflag:s22], s20  }
0x9f: {  	s4 =	ssub.s32 $0x0, s20;
	[sflag:s22] =	ssyncset.done $0x0  }
0xa0: {  	[sflag:s22] =	ssyncadd.s32 s4;
	_ =	sdelay $0x1  }
0xa1: {  	s23 =	simm.s32 $0x1B8B  }
0xa2: {  	_ =	swait.ge [sflag:s23], $0x1  }
0xa3: {  	[sflag:s23] =	ssyncset.done $0x0  }
0xa4: {  	s25 =	simm.s32 $0x1B8E;
	s24 =	sld [smem:$0x3FFE];
	[sflag:s23] =	ssyncadd.s32 $0xFFFFFFFF  }
0xa5: {  	s26 =	simm.s32 $execute0_lowered;
	[smem:$0x3FD2] =	sst s25  }
0xa6: {  	s5 =	sshll.u32 s26, $0x1;
	_ =	strace $0x80000046;
	[dreg:$0x1] =	wrdreg $0xFFFFFFFF  }
0xa7: {  	s28 =	simm.s32 $_size_execute0_lowered;
	s3 =	sadd.s32 s3, s5;
	[dreg:$0x0] =	wrdreg $0x0  }
0xa8: {  	s5 =	sshll.u32 s28, $0x1;
	[dreg:$0x2] =	wrdreg s3  }
0xa9: {  	[dreg:$0x3] =	wrdreg s5  }
0xaa: {  	[dreg:$0x4] =	wrdreg $0xC0  }
0xab: {  	_ =	task [dreg:s7], $0x5FFFF  }
0xac: {  	[dreg:$0x1] =	wrdreg $0xFFFFFFFF  }
0xad: {  	[dreg:$0x0] =	wrdreg $0x60  }
0xae: {  	[dreg:$0x2] =	wrdreg s2  }
0xaf: {  	[dreg:$0x3] =	wrdreg s24  }
0xb0: {  	[dreg:$0x4] =	wrdreg $0x1C000  }
0xb1: {  	[dreg:$0x5] =	wrdreg $0x9  }
0xb2: {  	_ =	task.clear_ibuf [dreg:s7], $0x6FFFF;
	_ =	strace $0x90000046  }
0xb3: {  	s29 =	simm.s32 $0x9;
	_ =	strace $0x80000048  }
0xb4: {  	_ =	swait.ge [sflag:s29], $0x1  }
0xb5: {  	[sflag:s29] =	ssyncadd.s32 $0xFFFFFFFF  }
0xb6: {  	_ =	strace $0x90000048  }
0xb7: {  	_ =	sfence  }
0xb8: {  	s30 =	sld [smem:$0x0];
	_ =	sdelay $0x2  }
0xb9: {  	s31 =	sshll.u32 s1, $0xD;
	s1 =	sshrl.u32 s1, $0x2  }
0xba: {  	s3 =	sand.u32 $0x4000, s31;
	s1 =	sadd.s32 s1, s30  }
0xbb: {  	s0 =	sor.u32 s3, s0;
	s1 =	sshll.u32 s1, $0x11  }
0xbc: {  	s0 =	sor.u32 s1, s0  }
0xbd: {  	s0 =	sadd.s32 $0x8F2B, s0  }
0xbe: {  	[sflag:s0] =	ssyncadd.remote.s32 $0x1  }
0xbf: {  	_ =	sfence.sel $0xFFFF  }
0xc0: {  	[dreg:$0x0] =	wrdreg $0xFFFFFFFF;
	(pc) =	sbr.abs _section_cstart, $3  }
0xc1: {  	[dreg:$0x1] =	wrdreg $0xFFFFFFFF  }
0xc2: {  	_ =	task.clear_ibuf [dreg:s7], $0x2FFFF;
	_ =	strace $0x9FFFFFFF  }
0xc3: {  	(tm) =	ssettm $0x7FFFFFFF  }
tec
execute0_lowered:
.L_overlay_start_1:
0x0: {  	(tag) =	ssettag $0x1  }
0x1: {  	s6 =	rddreg [dreg:$0x0]  }
0x2: {  	s7 =	rddreg [dreg:$0x1]  }
0x3: {  	s1 =	rddreg [dreg:$0x2]  }
0x4: {  	s0 =	rddreg [dreg:$0x3];
	s2 =	simm.s32 $0x0  }
0x5: {  	s3 =	srdreg.scid;
	s14 =	simm.s32 $0x0;
	[smem:$0x7FF] =	sst s2  }
0x6: {  	s4 =	sadd.s32 $0x3E00, s7;
	s5 =	sadd.s32 $0x3800, s7;
	s8 =	sand.u32 $0x1, s3  }
0x7: {  	s3 =	stileid.u32;
	_ =	strace $0x80000047;
	s9 =	ssub.s32 $0x2, s8  }
0x8: {  	s10 =	sshll.u32 s8, $0x4;
	s12 =	smul.u32 $0x2800, s3;
	p0 =	seq.s32 s8, $0x1  }
0x9: {  	s8 =	simm.s32 $0x4000;
	s31 =	sshll.u32 s3, $0x6;
	s10 =	sor.u32 s3, s10  }
0xa: {  	s11 =	sshrl.u32 s9, $0x1;
	s8 =	simm.s32 @!p0 $0x9000;
	s10 =	smul.u32 $0x280, s10  }
0xb: {  	s9 =	ssub.s32 s9, s11;
	s13 =	sadd.s32 s12, s1;
	s30 =	sshrl.u32 s12, $0x3  }
0xc: {  	s8 =	sadd.s32 s8, s7;
	s11 =	sor.u32 $0x1C01, s31;
	s7 =	smax.u32 s9, $0x1  }
0xd: {  	s8 =	sadd.s32 s8, s30;
	s9 =	simm.s32 $0x1400;
	s12 =	sshrl.u32 s13, $0x3  }
0xe: {  	s13 =	simm.s32 $0x80;
	s6 =	sadd.s32 s6, s10;
	s10 =	simm.s32 $0x1  }
.LBB2_1:
0xf: {  	[tilespmem:s9], [sflag:$0x1] =	stream.linear.gather [hbm4b:s4+s2], $0x800, $0x38;
	[tilespmem:$0x4400] =	vst v63  }
0x10: {  	_ =	swait.ge [sflag:s10], $0x800  }
0x11: {  	[sflag:s10] =	ssyncset.done $0x0  }
0x12: {  	[sflag:s10] =	ssyncadd.s32 $0xFFFFF800  }
0x13: {  	[spmem:s12], [sflag:s11] =	dma.local [hbm:s5], $0x500  }
0x14: {  	_ =	swait.ge [sflag:s10], $0x500  }
0x15: {  	[sflag:s10] =	ssyncset.done $0x0  }
0x16: {  	[sflag:s10] =	ssyncadd.s32 $0xFFFFFB00  }
0x17: {  	[tilespmem:s2], [sflag:$0x1] =	stream.linear.gather [hbm4b:s6+s2], $0x1400, $0x38;
	[tilespmem:$0x4400] =	vst v63  }
0x18: {  	_ =	swait.ge [sflag:s10], $0x1400  }
0x19: {  	[sflag:s10] =	ssyncset.done $0x0  }
0x1a: {  	[sflag:s10] =	ssyncadd.s32 $0xFFFFEC00  }
0x1b: {  	s15 =	simm.s32 $0x0;
	[bflag:$0x0] =	sbarrier.arrive $0xFFFF  }
0x1c: {  	[spmem:s1] =	stream.indirect.scatter.add.f32 [tilespmem:s9], [sflag:$0x1], $0x10, s15, s13, $0xb8;
	[tilespmem:$0x4400] =	vst v63  }
0x1d: {  	_ =	swait.ge [sflag:s10], $0x800  }
0x1e: {  	s15 =	simm.s32 $0x200;
	[sflag:s10] =	ssyncset.done $0x0  }
.LBB2_2:
0x1f: {  	s16 =	sshra.s32 s15, $0x2;
	[sflag:s10] =	ssyncadd.s32 $0xFFFFF800;
	p0 =	sne.s32 s15, $0x4E00  }
0x20: {  	[spmem:s1] =	stream.indirect.scatter.add.f32 [tilespmem:s9], [sflag:$0x1], $0x10, s16, s13, $0xb8;
	[tilespmem:$0x4400] =	vst v63  }
.Ltmp0:
0x21: {  	_ = 	snop;
	(pc) =	sbr.rel @p0 .LBB2_2-.Ltmp0, $4  }
0x22: {  	_ = 	snop  }
0x23: {  	s15 =	sadd.s32 $0x200, s15  }
0x24: {  	_ =	swait.ge [sflag:s10], $0x800  }
0x25: {  	[sflag:s10] =	ssyncset.done $0x0  }
0x26: {  	s14 =	sadd.s32 $0x1, s14  }
0x27: {  	[sflag:s10] =	ssyncadd.s32 $0xFFFFF800;
	p0 =	sne.s32 s14, s7  }
.Ltmp1:
0x28: {  	[bflag:$0x0] =	sbarrier.arrive $0xFFFF;
	(pc) =	sbr.rel @p0 .LBB2_1-.Ltmp1, $4  }
0x29: {  	[hbm:s8], [sflag:s11] =	dma.local [spmem:s12], $0x500  }
0x2a: {  	_ =	swait.ge [sflag:s10], $0x500  }
0x2b: {  	[sflag:s10] =	ssyncset.done $0x0  }
0x2c: {  	[sflag:s10] =	ssyncadd.s32 $0xFFFFFB00  }
0x2d: {  	_ =	sfence.sel $0x180000  }
0x2e: {  	[bflag:$0x0] =	sbarrier.arrive $0xFFFF  }
0x2f: {  	p0 =	sne.s32 s3, $0x0;
	_ =	strace $0x90000047  }
0x30: {  	s0 =	sadd.s32 @!p0 $0x100000, s0;
	[bflag:$0x2] =	sbarrier.arrive $0xFFFF  }
0x31: {  	[sflag:s0] =	ssyncadd.tile.s32 @!p0 $0x1;
	_ =	shalt  }
.Lfunc_end2:
_tile_overlayer_lowered:
.L_overlay_start_2:
0x32: {  	(tag) =	ssettag $0x2  }
0x33: {  	s0 =	rddreg [dreg:$0x0];
	s2 =	stileid.u32  }
0x34: {  	s1 =	rddreg [dreg:$0x1];
	p0 =	sne.s32 s2, $0x0  }
0x35: {  	s3 =	rddreg [dreg:$0x2];
	[bflag:$0x3] =	sbarrier.arrive $0xFFFF;
	s2 =	simm.s32 @!p0 $0x1C01  }
0x36: {  	[timem:s3], [sflag:s2] =	dma.local @!p0 [hbm:s0], s1  }
0x37: {  	s0 =	simm.s32 @!p0 $0x1  }
0x38: {  	_ =	swait.ge @!p0 [sflag:s0], s1  }
0x39: {  	s1 =	ssub.s32 @!p0 $0x0, s1;
	[sflag:s0] =	ssyncset.done @!p0 $0x0  }
0x3a: {  	[sflag:s0] =	ssyncadd.s32 @!p0 s1  }
0x3b: {  	[bflag:$0x3] =	sbarrier.arrive $0xFFFF  }
0x3c: {  	_ =	shalt  }

</sc_bundles>
